<compile_context>
chip_gen: v7x
topology: tpu7x:2x2x1
jax: 0.10.2.dev20260603
libtpu: 0.0.44.dev20260713+nightly
codegen_flags: <defaults>
</compile_context>

<pallas_src>
import functools

import jax
import jax.numpy as jnp
from jax import lax
from jax.experimental import pallas as pl
from jax.experimental.pallas import tpu as pltpu
from jax.experimental.pallas import tpu_sc as plsc

N_NODES = 10000
N_EDGES = 320000
D = 128
DE = 144
CHUNK = 64
NC = 2
NS = 16
NPAD = 10240
EPAD = 327680
CHUNKS_PER_PATH = EPAD // CHUNK
CHUNKS_TOTAL = 2 * CHUNKS_PER_PATH
CHUNKS_PER_TILE = CHUNKS_PER_PATH // NS
IDXBLK = 32
ROWS_PER_TILE = NPAD // NS
ZROW = 2 * N_NODES
PAD_DST = N_NODES


def _sc_scatter_mean_sums(xbf, src, dst, zrows):
    mesh = plsc.VectorSubcoreMesh(core_axis_name="c", subcore_axis_name="s")

    @functools.partial(
        pl.kernel,
        out_type=jax.ShapeDtypeStruct((2 * NPAD, DE), jnp.float32),
        mesh=mesh,
        scratch_types=[
            pltpu.VMEM((IDXBLK, CHUNK), jnp.int32),
            pltpu.VMEM((IDXBLK, CHUNK), jnp.int32),
            pltpu.VMEM((16,), jnp.float32),
            [pltpu.VMEM((CHUNK, D // 2), jnp.int32)] * 2,
            [pltpu.VMEM((CHUNK, DE), jnp.float32)] * 2,
            pltpu.VMEM_SHARED((NPAD, DE), jnp.float32),
            [pltpu.SemaphoreType.DMA] * 2,
            [pltpu.SemaphoreType.DMA] * 2,
        ],
        compiler_params=pltpu.CompilerParams(use_tc_tiling_on_sc=False,
                                             needs_layout_passes=False),
    )
    def k(xbf_hbm, src_hbm, dst_hbm, zrows_hbm, cvec_hbm, out_hbm,
          src_v, dst_v, cvec_v, brows, frows, agg_sh, sem_g, sem_s):
        c = lax.axis_index("c")
        s = lax.axis_index("s")
        pltpu.sync_copy(zrows_hbm, agg_sh.at[pl.ds(s * ROWS_PER_TILE,
                                                   ROWS_PER_TILE)])
        pltpu.sync_copy(cvec_hbm, cvec_v)
        cvec = cvec_v[...]

        def init_tail(e, carry):
            frows[0][e, pl.ds(D, 16)] = cvec
            frows[1][e, pl.ds(D, 16)] = cvec
            return carry

        lax.fori_loop(0, CHUNK, init_tail, 0)
        chunk0 = c * CHUNKS_PER_PATH + s * CHUNKS_PER_TILE
        plsc.subcore_barrier()

        def convert(b):
            def ce(e, carry):
                for g4 in range(D // 32):
                    w = brows[b][e, pl.ds(16 * g4, 16)]
                    lo, hi = plsc.unpack(
                        plsc.bitcast(w, jnp.bfloat16),
                        format=plsc.PackFormat.INTERLEAVED)
                    frows[b][e, pl.ds(16 * g4, 16)] = lo
                    frows[b][e, pl.ds(64 + 16 * g4, 16)] = hi
                return carry

            lax.fori_loop(0, CHUNK, ce, 0)

        def gather(g, b):
            return pltpu.make_async_copy(
                xbf_hbm.at[src_v.at[g]], brows[b], sem_g[b])

        def scatter(g, b):
            return pltpu.make_async_copy(
                frows[b], agg_sh.at[dst_v.at[g]], sem_s[b])

        npair = IDXBLK // 2

        def outer(bi, carry):
            b0 = chunk0 + bi * IDXBLK
            pltpu.sync_copy(src_hbm.at[pl.ds(b0, IDXBLK)], src_v)
            pltpu.sync_copy(dst_hbm.at[pl.ds(b0, IDXBLK)], dst_v)
            pltpu.async_copy(xbf_hbm.at[src_v.at[0]], brows[0], sem_g[0])
            pltpu.async_copy(xbf_hbm.at[src_v.at[1]], brows[1], sem_g[1])

            def pair(i, c2):
                g = 2 * i
                for b in range(2):
                    gather(g + b, b).wait()

                    @pl.when(i > 0)
                    def _():
                        scatter(g + b - 2, b).wait()

                    convert(b)
                    pltpu.async_copy(frows[b], agg_sh.at[dst_v.at[g + b]],
                                     sem_s[b], add=True)

                    @pl.when(i < npair - 1)
                    def _():
                        pltpu.async_copy(xbf_hbm.at[src_v.at[g + b + 2]],
                                         brows[b], sem_g[b])
                return c2

            lax.fori_loop(0, npair, pair, 0)
            scatter(IDXBLK - 2, 0).wait()
            scatter(IDXBLK - 1, 1).wait()
            return carry

        lax.fori_loop(0, CHUNKS_PER_TILE // IDXBLK, outer, 0)
        plsc.subcore_barrier()
        row0 = s * ROWS_PER_TILE
        pltpu.sync_copy(agg_sh.at[pl.ds(row0, ROWS_PER_TILE)],
                        out_hbm.at[pl.ds(c * NPAD + row0, ROWS_PER_TILE)])

    cvec16 = jnp.zeros((16,), jnp.float32).at[0].set(1.0)
    return k(xbf, src, dst, zrows, cvec16)




def _setup_body(xa_ref, xp_ref, eiw_ref, eic_ref, xbf_ref, src_ref, dst_ref):
    def pack(x):
        v = lax.bitcast_convert_type(x, jnp.int32)

        def rnd(u):
            odd = jnp.bitwise_and(lax.shift_right_logical(u, 16), 1)
            return lax.shift_right_logical(u + 0x7FFF + odd, 16)

        lo = rnd(v[:, :64])
        hi = rnd(v[:, 64:])
        return jnp.bitwise_or(jnp.bitwise_and(lo, 0xFFFF),
                              lax.shift_left(hi, 16))

    xbf_ref[0:N_NODES] = pack(xa_ref[...])
    xbf_ref[N_NODES:2 * N_NODES] = pack(xp_ref[...])
    xbf_ref[2 * N_NODES:] = jnp.zeros((8, D // 2), jnp.int32)
    nreal = N_EDGES // CHUNK
    src_ref[0:nreal] = eiw_ref[0]
    src_ref[nreal:CHUNKS_PER_PATH] = jnp.full(
        (CHUNKS_PER_PATH - nreal, CHUNK), ZROW, jnp.int32)
    src_ref[CHUNKS_PER_PATH:CHUNKS_PER_PATH + nreal] = eic_ref[0] + N_NODES
    src_ref[CHUNKS_PER_PATH + nreal:] = jnp.full(
        (CHUNKS_PER_PATH - nreal, CHUNK), ZROW, jnp.int32)
    dst_ref[0:nreal] = eiw_ref[1]
    dst_ref[nreal:CHUNKS_PER_PATH] = jnp.full(
        (CHUNKS_PER_PATH - nreal, CHUNK), PAD_DST, jnp.int32)
    dst_ref[CHUNKS_PER_PATH:CHUNKS_PER_PATH + nreal] = eic_ref[1]
    dst_ref[CHUNKS_PER_PATH + nreal:] = jnp.full(
        (CHUNKS_PER_PATH - nreal, CHUNK), PAD_DST, jnp.int32)


def _tc_setup(x_author, x_paper, ei_writes, ei_cites):
    nreal = N_EDGES // CHUNK
    full = lambda shape: pl.BlockSpec(shape, lambda: tuple(0 for _ in shape))
    return pl.pallas_call(
        _setup_body,
        in_specs=[full((N_NODES, D)), full((N_NODES, D)),
                  full((2, nreal, CHUNK)), full((2, nreal, CHUNK))],
        out_specs=(full((ZROW + 8, D // 2)),
                   full((CHUNKS_TOTAL, CHUNK)), full((CHUNKS_TOTAL, CHUNK))),
        out_shape=(jax.ShapeDtypeStruct((ZROW + 8, D // 2), jnp.int32),
                   jax.ShapeDtypeStruct((CHUNKS_TOTAL, CHUNK), jnp.int32),
                   jax.ShapeDtypeStruct((CHUNKS_TOTAL, CHUNK), jnp.int32)),
        compiler_params=pltpu.CompilerParams(
            vmem_limit_bytes=100 * 1024 * 1024),
    )(x_author, x_paper, ei_writes.reshape(2, nreal, CHUNK),
      ei_cites.reshape(2, nreal, CHUNK))


def _fuse_body(agg_ref, w0t_ref, b0_ref, w1t_ref, b1_ref, sv_ref,
               g_ref, bt_ref, out_ref):
    a0 = agg_ref[0]
    a1 = agg_ref[1]
    c0 = jnp.sum(a0[:, D:DE], axis=1, keepdims=True)
    c1 = jnp.sum(a1[:, D:DE], axis=1, keepdims=True)
    m0 = a0[:, :D] / jnp.maximum(c0, 1.0)
    m1 = a1[:, :D] / jnp.maximum(c1, 1.0)
    h0 = jnp.dot(m0, w0t_ref[:], preferred_element_type=jnp.float32) + b0_ref[:]
    h1 = jnp.dot(m1, w1t_ref[:], preferred_element_type=jnp.float32) + b1_ref[:]
    t0 = jnp.dot(jnp.tanh(h0), sv_ref[:], preferred_element_type=jnp.float32)
    t1 = jnp.dot(jnp.tanh(h1), sv_ref[:], preferred_element_type=jnp.float32)
    mx = jnp.maximum(t0, t1)
    e0 = jnp.exp(t0 - mx)
    e1 = jnp.exp(t1 - mx)
    inv = 1.0 / (e0 + e1)
    fused = (e0 * inv) * h0 + (e1 * inv) * h1
    r = jnp.maximum(fused, 0.0)
    mu = jnp.mean(r, axis=1, keepdims=True)
    var = jnp.mean(jnp.square(r - mu), axis=1, keepdims=True)
    out_ref[...] = ((r - mu) * lax.rsqrt(var + 1e-5) * g_ref[:] + bt_ref[:])


def _tc_fuse(agg, W0t, b0, W1t, b1, sem_col, ln_g, ln_b):
    blk = 1000
    grid = (N_NODES // blk,)
    full = lambda shape: pl.BlockSpec(shape, lambda i: tuple(0 for _ in shape))
    return pl.pallas_call(
        _fuse_body,
        grid=grid,
        in_specs=[
            pl.BlockSpec((2, blk, DE), lambda i: (0, i, 0)),
            full((D, D)), full((1, D)),
            full((D, D)), full((1, D)),
            full((D, 1)), full((1, D)), full((1, D)),
        ],
        out_specs=pl.BlockSpec((blk, D), lambda i: (i, 0)),
        out_shape=jax.ShapeDtypeStruct((N_NODES, D), jnp.float32),
    )(agg, W0t, b0, W1t, b1, sem_col, ln_g, ln_b)


def kernel(x_author, x_paper, ei_writes, ei_cites, W0, b0, W1, b1,
           sem_vec, ln_gamma, ln_beta):
    f32 = jnp.float32
    xbf, src, dst = _tc_setup(x_author, x_paper, ei_writes, ei_cites)
    zrows = jnp.zeros((ROWS_PER_TILE, DE), f32)

    sums = _sc_scatter_mean_sums(xbf, src, dst, zrows)
    agg = sums.reshape(2, NPAD, DE)

    out_paper = _tc_fuse(
        agg, W0.T, b0.reshape(1, D), W1.T, b1.reshape(1, D),
        sem_vec.reshape(D, 1), ln_gamma.reshape(1, D), ln_beta.reshape(1, D))
    out_author = jnp.zeros((N_NODES, D), f32)
    return (out_author, out_paper)

# --- scband reference (transcript-rebuilt; emitter-appended) ---
"""Pipeline reference for scband-hanlayer-21492016349917 (READ-ONLY COPY).

The authoritative reference and input builder live on the scoring server;
editing this copy changes nothing except your own understanding.
"""

import jax, jax.numpy as jnp
import numpy as np

N_NODES = 10000
N_EDGES = 320000
IN_DIM = 128
OUT_DIM = 128


def _layer_norm(x, gamma, beta, eps=1e-5):
    mu = x.mean(axis=-1, keepdims=True)
    var = x.var(axis=-1, keepdims=True)
    return (x - mu) / jnp.sqrt(var + eps) * gamma + beta


def _scatter_mean(msgs, dst, n):
    agg = jax.ops.segment_sum(msgs, dst, num_segments=n)
    cnt = jax.ops.segment_sum(jnp.ones(dst.shape[0], dtype=msgs.dtype), dst, num_segments=n)
    cnt = jnp.clip(cnt, 1.0, None)[:, None]
    return agg / cnt


def setup_inputs(seed: int = 0):
    key = jax.random.key(seed)
    ks = jax.random.split(key, 12)
    x_author = jax.random.normal(ks[0], (N_NODES, IN_DIM), dtype=jnp.float32)
    x_paper = jax.random.normal(ks[1], (N_NODES, IN_DIM), dtype=jnp.float32)
    ei_writes = jax.random.randint(ks[2], (2, N_EDGES), 0, N_NODES, dtype=jnp.int32)
    ei_cites = jax.random.randint(ks[3], (2, N_EDGES), 0, N_NODES, dtype=jnp.int32)
    s = 1.0 / np.sqrt(IN_DIM)
    W0 = jax.random.uniform(ks[4], (OUT_DIM, IN_DIM), minval=-s, maxval=s, dtype=jnp.float32)
    b0 = jax.random.uniform(ks[5], (OUT_DIM,), minval=-s, maxval=s, dtype=jnp.float32)
    W1 = jax.random.uniform(ks[6], (OUT_DIM, IN_DIM), minval=-s, maxval=s, dtype=jnp.float32)
    b1 = jax.random.uniform(ks[7], (OUT_DIM,), minval=-s, maxval=s, dtype=jnp.float32)
    sem_vec = jax.random.normal(ks[8], (OUT_DIM,), dtype=jnp.float32)
    ln_gamma = jnp.ones((OUT_DIM,), dtype=jnp.float32)
    ln_beta = jnp.zeros((OUT_DIM,), dtype=jnp.float32)
    return {"x_author": x_author, "x_paper": x_paper, "ei_writes": ei_writes, "ei_cites": ei_cites, "W0": W0, "b0": b0, "W1": W1, "b1": b1, "sem_vec": sem_vec, "ln_gamma": ln_gamma, "ln_beta": ln_beta}


def reference(x_author, x_paper, ei_writes, ei_cites, W0, b0, W1, b1, sem_vec, ln_gamma, ln_beta):
    # meta-path 0: (author, writes, paper) -> scatter-mean into paper nodes
    proj0 = x_author @ W0.T + b0
    agg0 = _scatter_mean(proj0[ei_writes[0]], ei_writes[1], N_NODES)
    # meta-path 1: (paper, cites, paper) -> scatter-mean into paper nodes
    proj1 = x_paper @ W1.T + b1
    agg1 = _scatter_mean(proj1[ei_cites[0]], ei_cites[1], N_NODES)
    # semantic (meta-path level) attention over the two paper embeddings
    stack = jnp.stack([agg0, agg1], axis=0)  # (P, N, D)
    scores = jnp.einsum('pnd,d->pn', jnp.tanh(stack), sem_vec)
    weights = jax.nn.softmax(scores, axis=0)
    fused = (stack * weights[..., None]).sum(axis=0)
    out_paper = _layer_norm(jax.nn.relu(fused), ln_gamma, ln_beta)
    # author receives no messages -> zeros, per torch forward
    out_author = jnp.zeros((N_NODES, OUT_DIM), dtype=jnp.float32)
    return (out_author, out_paper)

if __name__ == "__main__":
    import jax
    _d = setup_inputs()
    print(jax.jit(kernel)(*tuple(_d.values())))

</pallas_src>

<mosaic_0001>
#map = affine_map<(d0, d1) -> (0, 0)>
#map1 = affine_map<(d0, d1) -> (0)>
module attributes {stable_mosaic.version = 14 : i64} {
  func.func @k(%arg0: i32, %arg1: i32, %arg2: memref<20008x64xi32, #tpu.memory_space<hbm>>, %arg3: memref<10240x64xi32, #tpu.memory_space<hbm>>, %arg4: memref<10240x64xi32, #tpu.memory_space<hbm>>, %arg5: memref<640x144xf32, #tpu.memory_space<hbm>>, %arg6: memref<16xf32, #tpu.memory_space<hbm>>, %arg7: memref<20480x144xf32, #tpu.memory_space<hbm>>, %arg8: memref<32x64xi32, #tpu.memory_space<vmem>>, %arg9: memref<32x64xi32, #tpu.memory_space<vmem>>, %arg10: memref<16xf32, #tpu.memory_space<vmem>>, %arg11: memref<64x64xi32, #tpu.memory_space<vmem>>, %arg12: memref<64x64xi32, #tpu.memory_space<vmem>>, %arg13: memref<64x144xf32, #tpu.memory_space<vmem>>, %arg14: memref<64x144xf32, #tpu.memory_space<vmem>>, %arg15: memref<10240x144xf32, #tpu.memory_space<vmem_shared>>, %arg16: memref<!tpu.dma_semaphore, #tpu.memory_space<semaphore_mem>>, %arg17: memref<!tpu.dma_semaphore, #tpu.memory_space<semaphore_mem>>, %arg18: memref<!tpu.dma_semaphore, #tpu.memory_space<semaphore_mem>>, %arg19: memref<!tpu.dma_semaphore, #tpu.memory_space<semaphore_mem>>) attributes {dimension_semantics = [#tpu.dimension_semantics<core_parallel>, #tpu.dimension_semantics<subcore_parallel>], iteration_bounds = array<i64: 2, 16>, scalar_prefetch = 0 : i64, scratch_operands = 12 : i64, tpu.core_type = #tpu.core_type<sc_vector_subcore>, window_params = [{transform_indices = #map}, {transform_indices = #map}, {transform_indices = #map}, {transform_indices = #map}, {transform_indices = #map1}, {transform_indices = #map}]} {
    %mul3A = arith.constant 640 : i32
    %mul3A_0 = arith.muli %arg1, %mul3A : i32
    "tpu.region"() ({
      %run_scoped3A = tpu.sem_alloc : memref<!tpu.dma_semaphore, #tpu.memory_space<semaphore_mem>>
      %dma_start3A = arith.constant 0 : i32
      %dma_start3A_23 = tpu.memref_slice %arg15[%mul3A_0, %dma_start3A] : memref<10240x144xf32, #tpu.memory_space<vmem_shared>> -> memref<640x144xf32, #tpu.memory_space<vmem_shared>>
      tpu.enqueue_dma source(%arg5 : memref<640x144xf32, #tpu.memory_space<hbm>>) target(%dma_start3A_23 : memref<640x144xf32, #tpu.memory_space<vmem_shared>>) target_semaphore(%run_scoped3A : memref<!tpu.dma_semaphore, #tpu.memory_space<semaphore_mem>>)
      %dma_wait3A = arith.constant 0 : i32
      %dma_wait3A_24 = tpu.memref_slice %arg15[%mul3A_0, %dma_wait3A] : memref<10240x144xf32, #tpu.memory_space<vmem_shared>> -> memref<640x144xf32, #tpu.memory_space<vmem_shared>>
      tpu.wait_dma2 semaphore(%run_scoped3A : memref<!tpu.dma_semaphore, #tpu.memory_space<semaphore_mem>>) src(%arg5 : memref<640x144xf32, #tpu.memory_space<hbm>>) dst(%dma_wait3A_24 : memref<640x144xf32, #tpu.memory_space<vmem_shared>>)
      tpu.yield
    }) : () -> ()
    "tpu.region"() ({
      %run_scoped3A = tpu.sem_alloc : memref<!tpu.dma_semaphore, #tpu.memory_space<semaphore_mem>>
      tpu.enqueue_dma source(%arg6 : memref<16xf32, #tpu.memory_space<hbm>>) target(%arg10 : memref<16xf32, #tpu.memory_space<vmem>>) target_semaphore(%run_scoped3A : memref<!tpu.dma_semaphore, #tpu.memory_space<semaphore_mem>>)
      tpu.wait_dma2 semaphore(%run_scoped3A : memref<!tpu.dma_semaphore, #tpu.memory_space<semaphore_mem>>) src(%arg6 : memref<16xf32, #tpu.memory_space<hbm>>) dst(%arg10 : memref<16xf32, #tpu.memory_space<vmem>>)
      tpu.yield
    }) : () -> ()
    %get3A = arith.constant 0 : index
    %get3A_1 = tpu.vector_load %arg10[%get3A] {strides = array<i32>} : memref<16xf32, #tpu.memory_space<vmem>>, vector<16xf32>,
    %scan3A = arith.constant 0 : i32
    %scan3A_2 = arith.constant 0 : i32
    %scan3A_3 = arith.constant 64 : i32
    %scan3A_4 = arith.addi %scan3A_2, %scan3A_3 : i32
    %scan3A_5 = arith.constant 1 : i32
    scf.for %scan3A_23 = %scan3A_2 to %scan3A_4 step %scan3A_5  : i32 {
      %swap3A = arith.index_cast %scan3A_23 : i32 to index
      %swap3A_24 = arith.constant 128 : index
      %swap3A_25 = tpu.vector_load %arg13[%swap3A, %swap3A_24] {strides = array<i32>} : memref<64x144xf32, #tpu.memory_space<vmem>>, vector<16xf32>,
      tpu.vector_store %arg13[%swap3A, %swap3A_24], %get3A_1 {strides = array<i32>} : memref<64x144xf32, #tpu.memory_space<vmem>>, vector<16xf32>,
      %swap3A_26 = arith.index_cast %scan3A_23 : i32 to index
      %swap3A_27 = arith.constant 128 : index
      %swap3A_28 = tpu.vector_load %arg14[%swap3A_26, %swap3A_27] {strides = array<i32>} : memref<64x144xf32, #tpu.memory_space<vmem>>, vector<16xf32>,
      tpu.vector_store %arg14[%swap3A_26, %swap3A_27], %get3A_1 {strides = array<i32>} : memref<64x144xf32, #tpu.memory_space<vmem>>, vector<16xf32>,
    }
    %scan3A_6 = arith.constant 64 : i32
    %mul3A_7 = arith.constant 5120 : i32
    %mul3A_8 = arith.muli %arg0, %mul3A_7 : i32
    %mul3A_9 = arith.constant 320 : i32
    %mul3A_10 = arith.muli %arg1, %mul3A_9 : i32
    %add3A = arith.addi %mul3A_8, %mul3A_10 : i32
    %barrier3A = arith.constant 0 : index
    tpu.barrier barrier_id(%barrier3A)
    %scan3A_11 = arith.constant 0 : i32
    %scan3A_12 = arith.constant 0 : i32
    %scan3A_13 = arith.constant 10 : i32
    %scan3A_14 = arith.addi %scan3A_12, %scan3A_13 : i32
    %scan3A_15 = arith.constant 1 : i32
    scf.for %scan3A_23 = %scan3A_12 to %scan3A_14 step %scan3A_15  : i32 {
      %mul3A_24 = arith.constant 32 : i32
      %mul3A_25 = arith.muli %scan3A_23, %mul3A_24 : i32
      %add3A_26 = arith.addi %add3A, %mul3A_25 : i32
      "tpu.region"() ({
        %run_scoped3A = tpu.sem_alloc : memref<!tpu.dma_semaphore, #tpu.memory_space<semaphore_mem>>
        %dma_start3A_59 = arith.constant 0 : i32
        %dma_start3A_60 = tpu.memref_slice %arg3[%add3A_26, %dma_start3A_59] : memref<10240x64xi32, #tpu.memory_space<hbm>> -> memref<32x64xi32, #tpu.memory_space<hbm>>
        %dma_start3A_61 = arith.constant 0 : i32
        %dma_start3A_62 = tpu.memref_slice %arg3[%add3A_26, %dma_start3A_61] : memref<10240x64xi32, #tpu.memory_space<hbm>> -> memref<32x64xi32, #tpu.memory_space<hbm>>
        tpu.enqueue_dma source(%dma_start3A_62 : memref<32x64xi32, #tpu.memory_space<hbm>>) target(%arg8 : memref<32x64xi32, #tpu.memory_space<vmem>>) target_semaphore(%run_scoped3A : memref<!tpu.dma_semaphore, #tpu.memory_space<semaphore_mem>>)
        %dma_wait3A_63 = arith.constant 0 : i32
        %dma_wait3A_64 = tpu.memref_slice %arg3[%add3A_26, %dma_wait3A_63] : memref<10240x64xi32, #tpu.memory_space<hbm>> -> memref<32x64xi32, #tpu.memory_space<hbm>>
        %dma_wait3A_65 = arith.constant 0 : i32
        %dma_wait3A_66 = tpu.memref_slice %arg3[%add3A_26, %dma_wait3A_65] : memref<10240x64xi32, #tpu.memory_space<hbm>> -> memref<32x64xi32, #tpu.memory_space<hbm>>
        tpu.wait_dma2 semaphore(%run_scoped3A : memref<!tpu.dma_semaphore, #tpu.memory_space<semaphore_mem>>) src(%dma_wait3A_66 : memref<32x64xi32, #tpu.memory_space<hbm>>) dst(%arg8 : memref<32x64xi32, #tpu.memory_space<vmem>>)
        tpu.yield
      }) : () -> ()
      "tpu.region"() ({
        %run_scoped3A = tpu.sem_alloc : memref<!tpu.dma_semaphore, #tpu.memory_space<semaphore_mem>>
        %dma_start3A_59 = arith.constant 0 : i32
        %dma_start3A_60 = tpu.memref_slice %arg4[%add3A_26, %dma_start3A_59] : memref<10240x64xi32, #tpu.memory_space<hbm>> -> memref<32x64xi32, #tpu.memory_space<hbm>>
        %dma_start3A_61 = arith.constant 0 : i32
        %dma_start3A_62 = tpu.memref_slice %arg4[%add3A_26, %dma_start3A_61] : memref<10240x64xi32, #tpu.memory_space<hbm>> -> memref<32x64xi32, #tpu.memory_space<hbm>>
        tpu.enqueue_dma source(%dma_start3A_62 : memref<32x64xi32, #tpu.memory_space<hbm>>) target(%arg9 : memref<32x64xi32, #tpu.memory_space<vmem>>) target_semaphore(%run_scoped3A : memref<!tpu.dma_semaphore, #tpu.memory_space<semaphore_mem>>)
        %dma_wait3A_63 = arith.constant 0 : i32
        %dma_wait3A_64 = tpu.memref_slice %arg4[%add3A_26, %dma_wait3A_63] : memref<10240x64xi32, #tpu.memory_space<hbm>> -> memref<32x64xi32, #tpu.memory_space<hbm>>
        %dma_wait3A_65 = arith.constant 0 : i32
        %dma_wait3A_66 = tpu.memref_slice %arg4[%add3A_26, %dma_wait3A_65] : memref<10240x64xi32, #tpu.memory_space<hbm>> -> memref<32x64xi32, #tpu.memory_space<hbm>>
        tpu.wait_dma2 semaphore(%run_scoped3A : memref<!tpu.dma_semaphore, #tpu.memory_space<semaphore_mem>>) src(%dma_wait3A_66 : memref<32x64xi32, #tpu.memory_space<hbm>>) dst(%arg9 : memref<32x64xi32, #tpu.memory_space<vmem>>)
        tpu.yield
      }) : () -> ()
      %dma_start3A = arith.constant 0 : i32
      %dma_start3A_27 = arith.constant 0 : i32
      %dma_start3A_28 = tpu.memref_slice %arg8[%dma_start3A, %dma_start3A_27] : memref<32x64xi32, #tpu.memory_space<vmem>> -> memref<1x64xi32, #tpu.memory_space<vmem>>
      %dma_start3A_29 = tpu.memref_squeeze %dma_start3A_28 : memref<1x64xi32, #tpu.memory_space<vmem>> -> memref<64xi32, #tpu.memory_space<vmem>>
      %dma_start3A_30 = arith.constant 0 : i32
      %dma_start3A_31 = arith.constant 0 : i32
      %dma_start3A_32 = tpu.memref_slice %arg2[%dma_start3A_30, %dma_start3A_31] : memref<20008x64xi32, #tpu.memory_space<hbm>> -> memref<20008x64xi32, #tpu.memory_space<hbm>>
      tpu.enqueue_indirect_dma source(%dma_start3A_32 : memref<20008x64xi32, #tpu.memory_space<hbm>>) target(%arg11 : memref<64x64xi32, #tpu.memory_space<vmem>>) offsets(%dma_start3A_29 : memref<64xi32, #tpu.memory_space<vmem>>) semaphore(%arg16 : memref<!tpu.dma_semaphore, #tpu.memory_space<semaphore_mem>>)
      %dma_start3A_33 = arith.constant 1 : i32
      %dma_start3A_34 = arith.constant 0 : i32
      %dma_start3A_35 = tpu.memref_slice %arg8[%dma_start3A_33, %dma_start3A_34] : memref<32x64xi32, #tpu.memory_space<vmem>> -> memref<1x64xi32, #tpu.memory_space<vmem>>
      %dma_start3A_36 = tpu.memref_squeeze %dma_start3A_35 : memref<1x64xi32, #tpu.memory_space<vmem>> -> memref<64xi32, #tpu.memory_space<vmem>>
      %dma_start3A_37 = arith.constant 0 : i32
      %dma_start3A_38 = arith.constant 0 : i32
      %dma_start3A_39 = tpu.memref_slice %arg2[%dma_start3A_37, %dma_start3A_38] : memref<20008x64xi32, #tpu.memory_space<hbm>> -> memref<20008x64xi32, #tpu.memory_space<hbm>>
      tpu.enqueue_indirect_dma source(%dma_start3A_39 : memref<20008x64xi32, #tpu.memory_space<hbm>>) target(%arg12 : memref<64x64xi32, #tpu.memory_space<vmem>>) offsets(%dma_start3A_36 : memref<64xi32, #tpu.memory_space<vmem>>) semaphore(%arg17 : memref<!tpu.dma_semaphore, #tpu.memory_space<semaphore_mem>>)
      %scan3A_40 = arith.constant 0 : i32
      %scan3A_41 = arith.constant 0 : i32
      %scan3A_42 = arith.constant 16 : i32
      %scan3A_43 = arith.addi %scan3A_41, %scan3A_42 : i32
      %scan3A_44 = arith.constant 1 : i32
      scf.for %scan3A_59 = %scan3A_41 to %scan3A_43 step %scan3A_44  : i32 {
        %mul3A_60 = arith.constant 2 : i32
        %mul3A_61 = arith.muli %mul3A_60, %scan3A_59 : i32
        %add3A_62 = arith.constant 0 : i32
        %add3A_63 = arith.addi %mul3A_61, %add3A_62 : i32
        %dma_wait3A_64 = arith.constant 0 : i32
        %dma_wait3A_65 = tpu.memref_slice %arg8[%add3A_63, %dma_wait3A_64] : memref<32x64xi32, #tpu.memory_space<vmem>> -> memref<1x64xi32, #tpu.memory_space<vmem>>
        %dma_wait3A_66 = tpu.memref_squeeze %dma_wait3A_65 : memref<1x64xi32, #tpu.memory_space<vmem>> -> memref<64xi32, #tpu.memory_space<vmem>>
        %dma_wait3A_67 = arith.constant 0 : i32
        %dma_wait3A_68 = arith.constant 0 : i32
        %dma_wait3A_69 = tpu.memref_slice %arg2[%dma_wait3A_67, %dma_wait3A_68] : memref<20008x64xi32, #tpu.memory_space<hbm>> -> memref<20008x64xi32, #tpu.memory_space<hbm>>
        tpu.wait_indirect_dma semaphore(%arg16 : memref<!tpu.dma_semaphore, #tpu.memory_space<semaphore_mem>>) src(%dma_wait3A_69 : memref<20008x64xi32, #tpu.memory_space<hbm>>) dst(%arg11 : memref<64x64xi32, #tpu.memory_space<vmem>>)
        %gt3A = arith.constant 0 : i32
        %gt3A_70 = arith.cmpi sgt, %scan3A_59, %gt3A : i32
        %convert_element_type3A = arith.extui %gt3A_70 : i1 to i32
        %cond3A = arith.constant 0 : i32
        %cond3A_71 = arith.cmpi ne, %convert_element_type3A, %cond3A : i32
        scf.if %cond3A_71 {
          %add3A_122 = arith.constant 0 : i32
          %add3A_123 = arith.addi %mul3A_61, %add3A_122 : i32
          %sub3A = arith.constant 2 : i32
          %sub3A_124 = arith.subi %add3A_123, %sub3A : i32
          %dma_wait3A_125 = arith.constant 0 : i32
          %dma_wait3A_126 = tpu.memref_slice %arg9[%sub3A_124, %dma_wait3A_125] : memref<32x64xi32, #tpu.memory_space<vmem>> -> memref<1x64xi32, #tpu.memory_space<vmem>>
          %dma_wait3A_127 = tpu.memref_squeeze %dma_wait3A_126 : memref<1x64xi32, #tpu.memory_space<vmem>> -> memref<64xi32, #tpu.memory_space<vmem>>
          %dma_wait3A_128 = arith.constant 0 : i32
          %dma_wait3A_129 = arith.constant 0 : i32
          %dma_wait3A_130 = tpu.memref_slice %arg15[%dma_wait3A_128, %dma_wait3A_129] : memref<10240x144xf32, #tpu.memory_space<vmem_shared>> -> memref<10240x144xf32, #tpu.memory_space<vmem_shared>>
          tpu.wait_indirect_dma semaphore(%arg18 : memref<!tpu.dma_semaphore, #tpu.memory_space<semaphore_mem>>) src(%arg13 : memref<64x144xf32, #tpu.memory_space<vmem>>) dst(%dma_wait3A_130 : memref<10240x144xf32, #tpu.memory_space<vmem_shared>>)
        } else {
        }
        %scan3A_72 = arith.constant 0 : i32
        %scan3A_73 = arith.constant 0 : i32
        %scan3A_74 = arith.constant 64 : i32
        %scan3A_75 = arith.addi %scan3A_73, %scan3A_74 : i32
        %scan3A_76 = arith.constant 1 : i32
        scf.for %scan3A_122 = %scan3A_73 to %scan3A_75 step %scan3A_76  : i32 {
          %get3A_123 = arith.index_cast %scan3A_122 : i32 to index
          %get3A_124 = arith.constant 0 : index
          %get3A_125 = tpu.vector_load %arg11[%get3A_123, %get3A_124] {strides = array<i32>} : memref<64x64xi32, #tpu.memory_space<vmem>>, vector<16xi32>,
          %bitcast3A = vector.bitcast %get3A_125 : vector<16xi32> to vector<32xbf16>
          %unpack3A = tpu.unpack_subelements %bitcast3A, 0 {pack_format = #tpu.pack_format<interleaved>} : vector<32xbf16> -> vector<16xf32>
          %unpack3A_126 = tpu.unpack_subelements %bitcast3A, 1 {pack_format = #tpu.pack_format<interleaved>} : vector<32xbf16> -> vector<16xf32>
          %swap3A = arith.index_cast %scan3A_122 : i32 to index
          %swap3A_127 = arith.constant 0 : index
          %swap3A_128 = tpu.vector_load %arg13[%swap3A, %swap3A_127] {strides = array<i32>} : memref<64x144xf32, #tpu.memory_space<vmem>>, vector<16xf32>,
          tpu.vector_store %arg13[%swap3A, %swap3A_127], %unpack3A {strides = array<i32>} : memref<64x144xf32, #tpu.memory_space<vmem>>, vector<16xf32>,
          %swap3A_129 = arith.index_cast %scan3A_122 : i32 to index
          %swap3A_130 = arith.constant 64 : index
          %swap3A_131 = tpu.vector_load %arg13[%swap3A_129, %swap3A_130] {strides = array<i32>} : memref<64x144xf32, #tpu.memory_space<vmem>>, vector<16xf32>,
          tpu.vector_store %arg13[%swap3A_129, %swap3A_130], %unpack3A_126 {strides = array<i32>} : memref<64x144xf32, #tpu.memory_space<vmem>>, vector<16xf32>,
          %get3A_132 = arith.index_cast %scan3A_122 : i32 to index
          %get3A_133 = arith.constant 16 : index
          %get3A_134 = tpu.vector_load %arg11[%get3A_132, %get3A_133] {strides = array<i32>} : memref<64x64xi32, #tpu.memory_space<vmem>>, vector<16xi32>,
          %bitcast3A_135 = vector.bitcast %get3A_134 : vector<16xi32> to vector<32xbf16>
          %unpack3A_136 = tpu.unpack_subelements %bitcast3A_135, 0 {pack_format = #tpu.pack_format<interleaved>} : vector<32xbf16> -> vector<16xf32>
          %unpack3A_137 = tpu.unpack_subelements %bitcast3A_135, 1 {pack_format = #tpu.pack_format<interleaved>} : vector<32xbf16> -> vector<16xf32>
          %swap3A_138 = arith.index_cast %scan3A_122 : i32 to index
          %swap3A_139 = arith.constant 16 : index
          %swap3A_140 = tpu.vector_load %arg13[%swap3A_138, %swap3A_139] {strides = array<i32>} : memref<64x144xf32, #tpu.memory_space<vmem>>, vector<16xf32>,
          tpu.vector_store %arg13[%swap3A_138, %swap3A_139], %unpack3A_136 {strides = array<i32>} : memref<64x144xf32, #tpu.memory_space<vmem>>, vector<16xf32>,
          %swap3A_141 = arith.index_cast %scan3A_122 : i32 to index
          %swap3A_142 = arith.constant 80 : index
          %swap3A_143 = tpu.vector_load %arg13[%swap3A_141, %swap3A_142] {strides = array<i32>} : memref<64x144xf32, #tpu.memory_space<vmem>>, vector<16xf32>,
          tpu.vector_store %arg13[%swap3A_141, %swap3A_142], %unpack3A_137 {strides = array<i32>} : memref<64x144xf32, #tpu.memory_space<vmem>>, vector<16xf32>,
          %get3A_144 = arith.index_cast %scan3A_122 : i32 to index
          %get3A_145 = arith.constant 32 : index
          %get3A_146 = tpu.vector_load %arg11[%get3A_144, %get3A_145] {strides = array<i32>} : memref<64x64xi32, #tpu.memory_space<vmem>>, vector<16xi32>,
          %bitcast3A_147 = vector.bitcast %get3A_146 : vector<16xi32> to vector<32xbf16>
          %unpack3A_148 = tpu.unpack_subelements %bitcast3A_147, 0 {pack_format = #tpu.pack_format<interleaved>} : vector<32xbf16> -> vector<16xf32>
          %unpack3A_149 = tpu.unpack_subelements %bitcast3A_147, 1 {pack_format = #tpu.pack_format<interleaved>} : vector<32xbf16> -> vector<16xf32>
          %swap3A_150 = arith.index_cast %scan3A_122 : i32 to index
          %swap3A_151 = arith.constant 32 : index
          %swap3A_152 = tpu.vector_load %arg13[%swap3A_150, %swap3A_151] {strides = array<i32>} : memref<64x144xf32, #tpu.memory_space<vmem>>, vector<16xf32>,
          tpu.vector_store %arg13[%swap3A_150, %swap3A_151], %unpack3A_148 {strides = array<i32>} : memref<64x144xf32, #tpu.memory_space<vmem>>, vector<16xf32>,
          %swap3A_153 = arith.index_cast %scan3A_122 : i32 to index
          %swap3A_154 = arith.constant 96 : index
          %swap3A_155 = tpu.vector_load %arg13[%swap3A_153, %swap3A_154] {strides = array<i32>} : memref<64x144xf32, #tpu.memory_space<vmem>>, vector<16xf32>,
          tpu.vector_store %arg13[%swap3A_153, %swap3A_154], %unpack3A_149 {strides = array<i32>} : memref<64x144xf32, #tpu.memory_space<vmem>>, vector<16xf32>,
          %get3A_156 = arith.index_cast %scan3A_122 : i32 to index
          %get3A_157 = arith.constant 48 : index
          %get3A_158 = tpu.vector_load %arg11[%get3A_156, %get3A_157] {strides = array<i32>} : memref<64x64xi32, #tpu.memory_space<vmem>>, vector<16xi32>,
          %bitcast3A_159 = vector.bitcast %get3A_158 : vector<16xi32> to vector<32xbf16>
          %unpack3A_160 = tpu.unpack_subelements %bitcast3A_159, 0 {pack_format = #tpu.pack_format<interleaved>} : vector<32xbf16> -> vector<16xf32>
          %unpack3A_161 = tpu.unpack_subelements %bitcast3A_159, 1 {pack_format = #tpu.pack_format<interleaved>} : vector<32xbf16> -> vector<16xf32>
          %swap3A_162 = arith.index_cast %scan3A_122 : i32 to index
          %swap3A_163 = arith.constant 48 : index
          %swap3A_164 = tpu.vector_load %arg13[%swap3A_162, %swap3A_163] {strides = array<i32>} : memref<64x144xf32, #tpu.memory_space<vmem>>, vector<16xf32>,
          tpu.vector_store %arg13[%swap3A_162, %swap3A_163], %unpack3A_160 {strides = array<i32>} : memref<64x144xf32, #tpu.memory_space<vmem>>, vector<16xf32>,
          %swap3A_165 = arith.index_cast %scan3A_122 : i32 to index
          %swap3A_166 = arith.constant 112 : index
          %swap3A_167 = tpu.vector_load %arg13[%swap3A_165, %swap3A_166] {strides = array<i32>} : memref<64x144xf32, #tpu.memory_space<vmem>>, vector<16xf32>,
          tpu.vector_store %arg13[%swap3A_165, %swap3A_166], %unpack3A_161 {strides = array<i32>} : memref<64x144xf32, #tpu.memory_space<vmem>>, vector<16xf32>,
        }
        %scan3A_77 = arith.constant 64 : i32
        %add3A_78 = arith.constant 0 : i32
        %add3A_79 = arith.addi %mul3A_61, %add3A_78 : i32
        %dma_start3A_80 = arith.constant 0 : i32
        %dma_start3A_81 = tpu.memref_slice %arg9[%add3A_79, %dma_start3A_80] : memref<32x64xi32, #tpu.memory_space<vmem>> -> memref<1x64xi32, #tpu.memory_space<vmem>>
        %dma_start3A_82 = tpu.memref_squeeze %dma_start3A_81 : memref<1x64xi32, #tpu.memory_space<vmem>> -> memref<64xi32, #tpu.memory_space<vmem>>
        %dma_start3A_83 = arith.constant 0 : i32
        %dma_start3A_84 = arith.constant 0 : i32
        %dma_start3A_85 = tpu.memref_slice %arg15[%dma_start3A_83, %dma_start3A_84] : memref<10240x144xf32, #tpu.memory_space<vmem_shared>> -> memref<10240x144xf32, #tpu.memory_space<vmem_shared>>
        tpu.enqueue_indirect_dma source(%arg13 : memref<64x144xf32, #tpu.memory_space<vmem>>) target(%dma_start3A_85 : memref<10240x144xf32, #tpu.memory_space<vmem_shared>>) offsets(%dma_start3A_82 : memref<64xi32, #tpu.memory_space<vmem>>) semaphore(%arg18 : memref<!tpu.dma_semaphore, #tpu.memory_space<semaphore_mem>>) {add = true}
        %lt3A = arith.constant 15 : i32
        %lt3A_86 = arith.cmpi slt, %scan3A_59, %lt3A : i32
        %convert_element_type3A_87 = arith.extui %lt3A_86 : i1 to i32
        %cond3A_88 = arith.constant 0 : i32
        %cond3A_89 = arith.cmpi ne, %convert_element_type3A_87, %cond3A_88 : i32
        scf.if %cond3A_89 {
          %add3A_122 = arith.constant 0 : i32
          %add3A_123 = arith.addi %mul3A_61, %add3A_122 : i32
          %add3A_124 = arith.constant 2 : i32
          %add3A_125 = arith.addi %add3A_123, %add3A_124 : i32
          %dma_start3A_126 = arith.constant 0 : i32
          %dma_start3A_127 = tpu.memref_slice %arg8[%add3A_125, %dma_start3A_126] : memref<32x64xi32, #tpu.memory_space<vmem>> -> memref<1x64xi32, #tpu.memory_space<vmem>>
          %dma_start3A_128 = tpu.memref_squeeze %dma_start3A_127 : memref<1x64xi32, #tpu.memory_space<vmem>> -> memref<64xi32, #tpu.memory_space<vmem>>
          %dma_start3A_129 = arith.constant 0 : i32
          %dma_start3A_130 = arith.constant 0 : i32
          %dma_start3A_131 = tpu.memref_slice %arg2[%dma_start3A_129, %dma_start3A_130] : memref<20008x64xi32, #tpu.memory_space<hbm>> -> memref<20008x64xi32, #tpu.memory_space<hbm>>
          tpu.enqueue_indirect_dma source(%dma_start3A_131 : memref<20008x64xi32, #tpu.memory_space<hbm>>) target(%arg11 : memref<64x64xi32, #tpu.memory_space<vmem>>) offsets(%dma_start3A_128 : memref<64xi32, #tpu.memory_space<vmem>>) semaphore(%arg16 : memref<!tpu.dma_semaphore, #tpu.memory_space<semaphore_mem>>)
        } else {
        }
        %add3A_90 = arith.constant 1 : i32
        %add3A_91 = arith.addi %mul3A_61, %add3A_90 : i32
        %dma_wait3A_92 = arith.constant 0 : i32
        %dma_wait3A_93 = tpu.memref_slice %arg8[%add3A_91, %dma_wait3A_92] : memref<32x64xi32, #tpu.memory_space<vmem>> -> memref<1x64xi32, #tpu.memory_space<vmem>>
        %dma_wait3A_94 = tpu.memref_squeeze %dma_wait3A_93 : memref<1x64xi32, #tpu.memory_space<vmem>> -> memref<64xi32, #tpu.memory_space<vmem>>
        %dma_wait3A_95 = arith.constant 0 : i32
        %dma_wait3A_96 = arith.constant 0 : i32
        %dma_wait3A_97 = tpu.memref_slice %arg2[%dma_wait3A_95, %dma_wait3A_96] : memref<20008x64xi32, #tpu.memory_space<hbm>> -> memref<20008x64xi32, #tpu.memory_space<hbm>>
        tpu.wait_indirect_dma semaphore(%arg17 : memref<!tpu.dma_semaphore, #tpu.memory_space<semaphore_mem>>) src(%dma_wait3A_97 : memref<20008x64xi32, #tpu.memory_space<hbm>>) dst(%arg12 : memref<64x64xi32, #tpu.memory_space<vmem>>)
        %gt3A_98 = arith.constant 0 : i32
        %gt3A_99 = arith.cmpi sgt, %scan3A_59, %gt3A_98 : i32
        %convert_element_type3A_100 = arith.extui %gt3A_99 : i1 to i32
        %cond3A_101 = arith.constant 0 : i32
        %cond3A_102 = arith.cmpi ne, %convert_element_type3A_100, %cond3A_101 : i32
        scf.if %cond3A_102 {
          %add3A_122 = arith.constant 1 : i32
          %add3A_123 = arith.addi %mul3A_61, %add3A_122 : i32
          %sub3A = arith.constant 2 : i32
          %sub3A_124 = arith.subi %add3A_123, %sub3A : i32
          %dma_wait3A_125 = arith.constant 0 : i32
          %dma_wait3A_126 = tpu.memref_slice %arg9[%sub3A_124, %dma_wait3A_125] : memref<32x64xi32, #tpu.memory_space<vmem>> -> memref<1x64xi32, #tpu.memory_space<vmem>>
          %dma_wait3A_127 = tpu.memref_squeeze %dma_wait3A_126 : memref<1x64xi32, #tpu.memory_space<vmem>> -> memref<64xi32, #tpu.memory_space<vmem>>
          %dma_wait3A_128 = arith.constant 0 : i32
          %dma_wait3A_129 = arith.constant 0 : i32
          %dma_wait3A_130 = tpu.memref_slice %arg15[%dma_wait3A_128, %dma_wait3A_129] : memref<10240x144xf32, #tpu.memory_space<vmem_shared>> -> memref<10240x144xf32, #tpu.memory_space<vmem_shared>>
          tpu.wait_indirect_dma semaphore(%arg19 : memref<!tpu.dma_semaphore, #tpu.memory_space<semaphore_mem>>) src(%arg14 : memref<64x144xf32, #tpu.memory_space<vmem>>) dst(%dma_wait3A_130 : memref<10240x144xf32, #tpu.memory_space<vmem_shared>>)
        } else {
        }
        %scan3A_103 = arith.constant 0 : i32
        %scan3A_104 = arith.constant 0 : i32
        %scan3A_105 = arith.constant 64 : i32
        %scan3A_106 = arith.addi %scan3A_104, %scan3A_105 : i32
        %scan3A_107 = arith.constant 1 : i32
        scf.for %scan3A_122 = %scan3A_104 to %scan3A_106 step %scan3A_107  : i32 {
          %get3A_123 = arith.index_cast %scan3A_122 : i32 to index
          %get3A_124 = arith.constant 0 : index
          %get3A_125 = tpu.vector_load %arg12[%get3A_123, %get3A_124] {strides = array<i32>} : memref<64x64xi32, #tpu.memory_space<vmem>>, vector<16xi32>,
          %bitcast3A = vector.bitcast %get3A_125 : vector<16xi32> to vector<32xbf16>
          %unpack3A = tpu.unpack_subelements %bitcast3A, 0 {pack_format = #tpu.pack_format<interleaved>} : vector<32xbf16> -> vector<16xf32>
          %unpack3A_126 = tpu.unpack_subelements %bitcast3A, 1 {pack_format = #tpu.pack_format<interleaved>} : vector<32xbf16> -> vector<16xf32>
          %swap3A = arith.index_cast %scan3A_122 : i32 to index
          %swap3A_127 = arith.constant 0 : index
          %swap3A_128 = tpu.vector_load %arg14[%swap3A, %swap3A_127] {strides = array<i32>} : memref<64x144xf32, #tpu.memory_space<vmem>>, vector<16xf32>,
          tpu.vector_store %arg14[%swap3A, %swap3A_127], %unpack3A {strides = array<i32>} : memref<64x144xf32, #tpu.memory_space<vmem>>, vector<16xf32>,
          %swap3A_129 = arith.index_cast %scan3A_122 : i32 to index
          %swap3A_130 = arith.constant 64 : index
          %swap3A_131 = tpu.vector_load %arg14[%swap3A_129, %swap3A_130] {strides = array<i32>} : memref<64x144xf32, #tpu.memory_space<vmem>>, vector<16xf32>,
          tpu.vector_store %arg14[%swap3A_129, %swap3A_130], %unpack3A_126 {strides = array<i32>} : memref<64x144xf32, #tpu.memory_space<vmem>>, vector<16xf32>,
          %get3A_132 = arith.index_cast %scan3A_122 : i32 to index
          %get3A_133 = arith.constant 16 : index
          %get3A_134 = tpu.vector_load %arg12[%get3A_132, %get3A_133] {strides = array<i32>} : memref<64x64xi32, #tpu.memory_space<vmem>>, vector<16xi32>,
          %bitcast3A_135 = vector.bitcast %get3A_134 : vector<16xi32> to vector<32xbf16>
          %unpack3A_136 = tpu.unpack_subelements %bitcast3A_135, 0 {pack_format = #tpu.pack_format<interleaved>} : vector<32xbf16> -> vector<16xf32>
          %unpack3A_137 = tpu.unpack_subelements %bitcast3A_135, 1 {pack_format = #tpu.pack_format<interleaved>} : vector<32xbf16> -> vector<16xf32>
          %swap3A_138 = arith.index_cast %scan3A_122 : i32 to index
          %swap3A_139 = arith.constant 16 : index
          %swap3A_140 = tpu.vector_load %arg14[%swap3A_138, %swap3A_139] {strides = array<i32>} : memref<64x144xf32, #tpu.memory_space<vmem>>, vector<16xf32>,
          tpu.vector_store %arg14[%swap3A_138, %swap3A_139], %unpack3A_136 {strides = array<i32>} : memref<64x144xf32, #tpu.memory_space<vmem>>, vector<16xf32>,
          %swap3A_141 = arith.index_cast %scan3A_122 : i32 to index
          %swap3A_142 = arith.constant 80 : index
          %swap3A_143 = tpu.vector_load %arg14[%swap3A_141, %swap3A_142] {strides = array<i32>} : memref<64x144xf32, #tpu.memory_space<vmem>>, vector<16xf32>,
          tpu.vector_store %arg14[%swap3A_141, %swap3A_142], %unpack3A_137 {strides = array<i32>} : memref<64x144xf32, #tpu.memory_space<vmem>>, vector<16xf32>,
          %get3A_144 = arith.index_cast %scan3A_122 : i32 to index
          %get3A_145 = arith.constant 32 : index
          %get3A_146 = tpu.vector_load %arg12[%get3A_144, %get3A_145] {strides = array<i32>} : memref<64x64xi32, #tpu.memory_space<vmem>>, vector<16xi32>,
          %bitcast3A_147 = vector.bitcast %get3A_146 : vector<16xi32> to vector<32xbf16>
          %unpack3A_148 = tpu.unpack_subelements %bitcast3A_147, 0 {pack_format = #tpu.pack_format<interleaved>} : vector<32xbf16> -> vector<16xf32>
          %unpack3A_149 = tpu.unpack_subelements %bitcast3A_147, 1 {pack_format = #tpu.pack_format<interleaved>} : vector<32xbf16> -> vector<16xf32>
          %swap3A_150 = arith.index_cast %scan3A_122 : i32 to index
          %swap3A_151 = arith.constant 32 : index
          %swap3A_152 = tpu.vector_load %arg14[%swap3A_150, %swap3A_151] {strides = array<i32>} : memref<64x144xf32, #tpu.memory_space<vmem>>, vector<16xf32>,
          tpu.vector_store %arg14[%swap3A_150, %swap3A_151], %unpack3A_148 {strides = array<i32>} : memref<64x144xf32, #tpu.memory_space<vmem>>, vector<16xf32>,
          %swap3A_153 = arith.index_cast %scan3A_122 : i32 to index
          %swap3A_154 = arith.constant 96 : index
          %swap3A_155 = tpu.vector_load %arg14[%swap3A_153, %swap3A_154] {strides = array<i32>} : memref<64x144xf32, #tpu.memory_space<vmem>>, vector<16xf32>,
          tpu.vector_store %arg14[%swap3A_153, %swap3A_154], %unpack3A_149 {strides = array<i32>} : memref<64x144xf32, #tpu.memory_space<vmem>>, vector<16xf32>,
          %get3A_156 = arith.index_cast %scan3A_122 : i32 to index
          %get3A_157 = arith.constant 48 : index
          %get3A_158 = tpu.vector_load %arg12[%get3A_156, %get3A_157] {strides = array<i32>} : memref<64x64xi32, #tpu.memory_space<vmem>>, vector<16xi32>,
          %bitcast3A_159 = vector.bitcast %get3A_158 : vector<16xi32> to vector<32xbf16>
          %unpack3A_160 = tpu.unpack_subelements %bitcast3A_159, 0 {pack_format = #tpu.pack_format<interleaved>} : vector<32xbf16> -> vector<16xf32>
          %unpack3A_161 = tpu.unpack_subelements %bitcast3A_159, 1 {pack_format = #tpu.pack_format<interleaved>} : vector<32xbf16> -> vector<16xf32>
          %swap3A_162 = arith.index_cast %scan3A_122 : i32 to index
          %swap3A_163 = arith.constant 48 : index
          %swap3A_164 = tpu.vector_load %arg14[%swap3A_162, %swap3A_163] {strides = array<i32>} : memref<64x144xf32, #tpu.memory_space<vmem>>, vector<16xf32>,
          tpu.vector_store %arg14[%swap3A_162, %swap3A_163], %unpack3A_160 {strides = array<i32>} : memref<64x144xf32, #tpu.memory_space<vmem>>, vector<16xf32>,
          %swap3A_165 = arith.index_cast %scan3A_122 : i32 to index
          %swap3A_166 = arith.constant 112 : index
          %swap3A_167 = tpu.vector_load %arg14[%swap3A_165, %swap3A_166] {strides = array<i32>} : memref<64x144xf32, #tpu.memory_space<vmem>>, vector<16xf32>,
          tpu.vector_store %arg14[%swap3A_165, %swap3A_166], %unpack3A_161 {strides = array<i32>} : memref<64x144xf32, #tpu.memory_space<vmem>>, vector<16xf32>,
        }
        %scan3A_108 = arith.constant 64 : i32
        %add3A_109 = arith.constant 1 : i32
        %add3A_110 = arith.addi %mul3A_61, %add3A_109 : i32
        %dma_start3A_111 = arith.constant 0 : i32
        %dma_start3A_112 = tpu.memref_slice %arg9[%add3A_110, %dma_start3A_111] : memref<32x64xi32, #tpu.memory_space<vmem>> -> memref<1x64xi32, #tpu.memory_space<vmem>>
        %dma_start3A_113 = tpu.memref_squeeze %dma_start3A_112 : memref<1x64xi32, #tpu.memory_space<vmem>> -> memref<64xi32, #tpu.memory_space<vmem>>
        %dma_start3A_114 = arith.constant 0 : i32
        %dma_start3A_115 = arith.constant 0 : i32
        %dma_start3A_116 = tpu.memref_slice %arg15[%dma_start3A_114, %dma_start3A_115] : memref<10240x144xf32, #tpu.memory_space<vmem_shared>> -> memref<10240x144xf32, #tpu.memory_space<vmem_shared>>
        tpu.enqueue_indirect_dma source(%arg14 : memref<64x144xf32, #tpu.memory_space<vmem>>) target(%dma_start3A_116 : memref<10240x144xf32, #tpu.memory_space<vmem_shared>>) offsets(%dma_start3A_113 : memref<64xi32, #tpu.memory_space<vmem>>) semaphore(%arg19 : memref<!tpu.dma_semaphore, #tpu.memory_space<semaphore_mem>>) {add = true}
        %lt3A_117 = arith.constant 15 : i32
        %lt3A_118 = arith.cmpi slt, %scan3A_59, %lt3A_117 : i32
        %convert_element_type3A_119 = arith.extui %lt3A_118 : i1 to i32
        %cond3A_120 = arith.constant 0 : i32
        %cond3A_121 = arith.cmpi ne, %convert_element_type3A_119, %cond3A_120 : i32
        scf.if %cond3A_121 {
          %add3A_122 = arith.constant 1 : i32
          %add3A_123 = arith.addi %mul3A_61, %add3A_122 : i32
          %add3A_124 = arith.constant 2 : i32
          %add3A_125 = arith.addi %add3A_123, %add3A_124 : i32
          %dma_start3A_126 = arith.constant 0 : i32
          %dma_start3A_127 = tpu.memref_slice %arg8[%add3A_125, %dma_start3A_126] : memref<32x64xi32, #tpu.memory_space<vmem>> -> memref<1x64xi32, #tpu.memory_space<vmem>>
          %dma_start3A_128 = tpu.memref_squeeze %dma_start3A_127 : memref<1x64xi32, #tpu.memory_space<vmem>> -> memref<64xi32, #tpu.memory_space<vmem>>
          %dma_start3A_129 = arith.constant 0 : i32
          %dma_start3A_130 = arith.constant 0 : i32
          %dma_start3A_131 = tpu.memref_slice %arg2[%dma_start3A_129, %dma_start3A_130] : memref<20008x64xi32, #tpu.memory_space<hbm>> -> memref<20008x64xi32, #tpu.memory_space<hbm>>
          tpu.enqueue_indirect_dma source(%dma_start3A_131 : memref<20008x64xi32, #tpu.memory_space<hbm>>) target(%arg12 : memref<64x64xi32, #tpu.memory_space<vmem>>) offsets(%dma_start3A_128 : memref<64xi32, #tpu.memory_space<vmem>>) semaphore(%arg17 : memref<!tpu.dma_semaphore, #tpu.memory_space<semaphore_mem>>)
        } else {
        }
      }
      %scan3A_45 = arith.constant 16 : i32
      %dma_wait3A = arith.constant 30 : i32
      %dma_wait3A_46 = arith.constant 0 : i32
      %dma_wait3A_47 = tpu.memref_slice %arg9[%dma_wait3A, %dma_wait3A_46] : memref<32x64xi32, #tpu.memory_space<vmem>> -> memref<1x64xi32, #tpu.memory_space<vmem>>
      %dma_wait3A_48 = tpu.memref_squeeze %dma_wait3A_47 : memref<1x64xi32, #tpu.memory_space<vmem>> -> memref<64xi32, #tpu.memory_space<vmem>>
      %dma_wait3A_49 = arith.constant 0 : i32
      %dma_wait3A_50 = arith.constant 0 : i32
      %dma_wait3A_51 = tpu.memref_slice %arg15[%dma_wait3A_49, %dma_wait3A_50] : memref<10240x144xf32, #tpu.memory_space<vmem_shared>> -> memref<10240x144xf32, #tpu.memory_space<vmem_shared>>
      tpu.wait_indirect_dma semaphore(%arg18 : memref<!tpu.dma_semaphore, #tpu.memory_space<semaphore_mem>>) src(%arg13 : memref<64x144xf32, #tpu.memory_space<vmem>>) dst(%dma_wait3A_51 : memref<10240x144xf32, #tpu.memory_space<vmem_shared>>)
      %dma_wait3A_52 = arith.constant 31 : i32
      %dma_wait3A_53 = arith.constant 0 : i32
      %dma_wait3A_54 = tpu.memref_slice %arg9[%dma_wait3A_52, %dma_wait3A_53] : memref<32x64xi32, #tpu.memory_space<vmem>> -> memref<1x64xi32, #tpu.memory_space<vmem>>
      %dma_wait3A_55 = tpu.memref_squeeze %dma_wait3A_54 : memref<1x64xi32, #tpu.memory_space<vmem>> -> memref<64xi32, #tpu.memory_space<vmem>>
      %dma_wait3A_56 = arith.constant 0 : i32
      %dma_wait3A_57 = arith.constant 0 : i32
      %dma_wait3A_58 = tpu.memref_slice %arg15[%dma_wait3A_56, %dma_wait3A_57] : memref<10240x144xf32, #tpu.memory_space<vmem_shared>> -> memref<10240x144xf32, #tpu.memory_space<vmem_shared>>
      tpu.wait_indirect_dma semaphore(%arg19 : memref<!tpu.dma_semaphore, #tpu.memory_space<semaphore_mem>>) src(%arg14 : memref<64x144xf32, #tpu.memory_space<vmem>>) dst(%dma_wait3A_58 : memref<10240x144xf32, #tpu.memory_space<vmem_shared>>)
    }
    %scan3A_16 = arith.constant 10 : i32
    %barrier3A_17 = arith.constant 0 : index
    tpu.barrier barrier_id(%barrier3A_17)
    %mul3A_18 = arith.constant 640 : i32
    %mul3A_19 = arith.muli %arg1, %mul3A_18 : i32
    %mul3A_20 = arith.constant 10240 : i32
    %mul3A_21 = arith.muli %arg0, %mul3A_20 : i32
    %add3A_22 = arith.addi %mul3A_21, %mul3A_19 : i32
    "tpu.region"() ({
      %run_scoped3A = tpu.sem_alloc : memref<!tpu.dma_semaphore, #tpu.memory_space<semaphore_mem>>
      %dma_start3A = arith.constant 0 : i32
      %dma_start3A_23 = tpu.memref_slice %arg7[%add3A_22, %dma_start3A] : memref<20480x144xf32, #tpu.memory_space<hbm>> -> memref<640x144xf32, #tpu.memory_space<hbm>>
      %dma_start3A_24 = arith.constant 0 : i32
      %dma_start3A_25 = tpu.memref_slice %arg15[%mul3A_19, %dma_start3A_24] : memref<10240x144xf32, #tpu.memory_space<vmem_shared>> -> memref<640x144xf32, #tpu.memory_space<vmem_shared>>
      tpu.enqueue_dma source(%dma_start3A_25 : memref<640x144xf32, #tpu.memory_space<vmem_shared>>) target(%dma_start3A_23 : memref<640x144xf32, #tpu.memory_space<hbm>>) target_semaphore(%run_scoped3A : memref<!tpu.dma_semaphore, #tpu.memory_space<semaphore_mem>>)
      %dma_wait3A = arith.constant 0 : i32
      %dma_wait3A_26 = tpu.memref_slice %arg7[%add3A_22, %dma_wait3A] : memref<20480x144xf32, #tpu.memory_space<hbm>> -> memref<640x144xf32, #tpu.memory_space<hbm>>
      %dma_wait3A_27 = arith.constant 0 : i32
      %dma_wait3A_28 = tpu.memref_slice %arg15[%mul3A_19, %dma_wait3A_27] : memref<10240x144xf32, #tpu.memory_space<vmem_shared>> -> memref<640x144xf32, #tpu.memory_space<vmem_shared>>
      tpu.wait_dma2 semaphore(%run_scoped3A : memref<!tpu.dma_semaphore, #tpu.memory_space<semaphore_mem>>) src(%dma_wait3A_28 : memref<640x144xf32, #tpu.memory_space<vmem_shared>>) dst(%dma_wait3A_26 : memref<640x144xf32, #tpu.memory_space<hbm>>)
      tpu.yield
    }) : () -> ()
    return
  }
}

module attributes {stable_mosaic.version = 14 : i64} {
  func.func @_setup_body(%arg0: memref<10000x128xf32, #tpu.memory_space<vmem>>, %arg1: memref<10000x128xf32, #tpu.memory_space<vmem>>, %arg2: memref<2x5000x64xi32, #tpu.memory_space<vmem>>, %arg3: memref<2x5000x64xi32, #tpu.memory_space<vmem>>, %arg4: memref<20008x64xi32, #tpu.memory_space<vmem>>, %arg5: memref<10240x64xi32, #tpu.memory_space<vmem>>, %arg6: memref<10240x64xi32, #tpu.memory_space<vmem>>) attributes {dimension_semantics = [], scalar_prefetch = 0 : i64, scratch_operands = 0 : i64, tpu.core_type = #tpu.core_type<tc>} {
    %get3A = arith.constant 0 : index
    %get3A_0 = arith.constant 0 : index
    %get3A_1 = vector.load %arg0[%get3A, %get3A_0] : memref<10000x128xf32, #tpu.memory_space<vmem>>, vector<10000x128xf32>
    %bitcast_convert_type3A = tpu.bitcast %get3A_1 : vector<10000x128xf32> -> vector<10000x128xi32>
    %slice3A = vector.extract_strided_slice %bitcast_convert_type3A {offsets = [0, 0], sizes = [10000, 64], strides = [1, 1]} : vector<10000x128xi32> to vector<10000x64xi32>
    %shift_right_logical3A = arith.constant 16 : i32
    %shift_right_logical3A_2 = vector.broadcast %shift_right_logical3A : i32 to vector<10000x64xi32>
    %shift_right_logical3A_3 = arith.shrui %slice3A, %shift_right_logical3A_2 : vector<10000x64xi32>
    %and3A = arith.constant 1 : i32
    %and3A_4 = vector.broadcast %and3A : i32 to vector<10000x64xi32>
    %and3A_5 = arith.andi %shift_right_logical3A_3, %and3A_4 : vector<10000x64xi32>
    %add3A = arith.constant 32767 : i32
    %add3A_6 = vector.broadcast %add3A : i32 to vector<10000x64xi32>
    %add3A_7 = arith.addi %slice3A, %add3A_6 : vector<10000x64xi32>
    %add3A_8 = arith.addi %add3A_7, %and3A_5 : vector<10000x64xi32>
    %shift_right_logical3A_9 = arith.constant 16 : i32
    %shift_right_logical3A_10 = vector.broadcast %shift_right_logical3A_9 : i32 to vector<10000x64xi32>
    %shift_right_logical3A_11 = arith.shrui %add3A_8, %shift_right_logical3A_10 : vector<10000x64xi32>
    %slice3A_12 = vector.extract_strided_slice %bitcast_convert_type3A {offsets = [0, 64], sizes = [10000, 64], strides = [1, 1]} : vector<10000x128xi32> to vector<10000x64xi32>
    %shift_right_logical3A_13 = arith.constant 16 : i32
    %shift_right_logical3A_14 = vector.broadcast %shift_right_logical3A_13 : i32 to vector<10000x64xi32>
    %shift_right_logical3A_15 = arith.shrui %slice3A_12, %shift_right_logical3A_14 : vector<10000x64xi32>
    %and3A_16 = arith.constant 1 : i32
    %and3A_17 = vector.broadcast %and3A_16 : i32 to vector<10000x64xi32>
    %and3A_18 = arith.andi %shift_right_logical3A_15, %and3A_17 : vector<10000x64xi32>
    %add3A_19 = arith.constant 32767 : i32
    %add3A_20 = vector.broadcast %add3A_19 : i32 to vector<10000x64xi32>
    %add3A_21 = arith.addi %slice3A_12, %add3A_20 : vector<10000x64xi32>
    %add3A_22 = arith.addi %add3A_21, %and3A_18 : vector<10000x64xi32>
    %shift_right_logical3A_23 = arith.constant 16 : i32
    %shift_right_logical3A_24 = vector.broadcast %shift_right_logical3A_23 : i32 to vector<10000x64xi32>
    %shift_right_logical3A_25 = arith.shrui %add3A_22, %shift_right_logical3A_24 : vector<10000x64xi32>
    %and3A_26 = arith.constant 65535 : i32
    %and3A_27 = vector.broadcast %and3A_26 : i32 to vector<10000x64xi32>
    %and3A_28 = arith.andi %shift_right_logical3A_11, %and3A_27 : vector<10000x64xi32>
    %shift_left3A = arith.constant 16 : i32
    %shift_left3A_29 = vector.broadcast %shift_left3A : i32 to vector<10000x64xi32>
    %shift_left3A_30 = arith.shli %shift_right_logical3A_25, %shift_left3A_29 : vector<10000x64xi32>
    %or3A = arith.ori %and3A_28, %shift_left3A_30 : vector<10000x64xi32>
    %swap3A = arith.constant 0 : index
    %swap3A_31 = arith.constant 0 : index
    %swap3A_32 = vector.load %arg4[%swap3A, %swap3A_31] : memref<20008x64xi32, #tpu.memory_space<vmem>>, vector<10000x64xi32>
    tpu.vector_store %arg4[%swap3A, %swap3A_31], %or3A {strides = array<i32>} : memref<20008x64xi32, #tpu.memory_space<vmem>>, vector<10000x64xi32>,
    %get3A_33 = arith.constant 0 : index
    %get3A_34 = arith.constant 0 : index
    %get3A_35 = vector.load %arg1[%get3A_33, %get3A_34] : memref<10000x128xf32, #tpu.memory_space<vmem>>, vector<10000x128xf32>
    %bitcast_convert_type3A_36 = tpu.bitcast %get3A_35 : vector<10000x128xf32> -> vector<10000x128xi32>
    %slice3A_37 = vector.extract_strided_slice %bitcast_convert_type3A_36 {offsets = [0, 0], sizes = [10000, 64], strides = [1, 1]} : vector<10000x128xi32> to vector<10000x64xi32>
    %shift_right_logical3A_38 = arith.constant 16 : i32
    %shift_right_logical3A_39 = vector.broadcast %shift_right_logical3A_38 : i32 to vector<10000x64xi32>
    %shift_right_logical3A_40 = arith.shrui %slice3A_37, %shift_right_logical3A_39 : vector<10000x64xi32>
    %and3A_41 = arith.constant 1 : i32
    %and3A_42 = vector.broadcast %and3A_41 : i32 to vector<10000x64xi32>
    %and3A_43 = arith.andi %shift_right_logical3A_40, %and3A_42 : vector<10000x64xi32>
    %add3A_44 = arith.constant 32767 : i32
    %add3A_45 = vector.broadcast %add3A_44 : i32 to vector<10000x64xi32>
    %add3A_46 = arith.addi %slice3A_37, %add3A_45 : vector<10000x64xi32>
    %add3A_47 = arith.addi %add3A_46, %and3A_43 : vector<10000x64xi32>
    %shift_right_logical3A_48 = arith.constant 16 : i32
    %shift_right_logical3A_49 = vector.broadcast %shift_right_logical3A_48 : i32 to vector<10000x64xi32>
    %shift_right_logical3A_50 = arith.shrui %add3A_47, %shift_right_logical3A_49 : vector<10000x64xi32>
    %slice3A_51 = vector.extract_strided_slice %bitcast_convert_type3A_36 {offsets = [0, 64], sizes = [10000, 64], strides = [1, 1]} : vector<10000x128xi32> to vector<10000x64xi32>
    %shift_right_logical3A_52 = arith.constant 16 : i32
    %shift_right_logical3A_53 = vector.broadcast %shift_right_logical3A_52 : i32 to vector<10000x64xi32>
    %shift_right_logical3A_54 = arith.shrui %slice3A_51, %shift_right_logical3A_53 : vector<10000x64xi32>
    %and3A_55 = arith.constant 1 : i32
    %and3A_56 = vector.broadcast %and3A_55 : i32 to vector<10000x64xi32>
    %and3A_57 = arith.andi %shift_right_logical3A_54, %and3A_56 : vector<10000x64xi32>
    %add3A_58 = arith.constant 32767 : i32
    %add3A_59 = vector.broadcast %add3A_58 : i32 to vector<10000x64xi32>
    %add3A_60 = arith.addi %slice3A_51, %add3A_59 : vector<10000x64xi32>
    %add3A_61 = arith.addi %add3A_60, %and3A_57 : vector<10000x64xi32>
    %shift_right_logical3A_62 = arith.constant 16 : i32
    %shift_right_logical3A_63 = vector.broadcast %shift_right_logical3A_62 : i32 to vector<10000x64xi32>
    %shift_right_logical3A_64 = arith.shrui %add3A_61, %shift_right_logical3A_63 : vector<10000x64xi32>
    %and3A_65 = arith.constant 65535 : i32
    %and3A_66 = vector.broadcast %and3A_65 : i32 to vector<10000x64xi32>
    %and3A_67 = arith.andi %shift_right_logical3A_50, %and3A_66 : vector<10000x64xi32>
    %shift_left3A_68 = arith.constant 16 : i32
    %shift_left3A_69 = vector.broadcast %shift_left3A_68 : i32 to vector<10000x64xi32>
    %shift_left3A_70 = arith.shli %shift_right_logical3A_64, %shift_left3A_69 : vector<10000x64xi32>
    %or3A_71 = arith.ori %and3A_67, %shift_left3A_70 : vector<10000x64xi32>
    %swap3A_72 = arith.constant 10000 : index
    %swap3A_73 = arith.constant 0 : index
    %swap3A_74 = vector.load %arg4[%swap3A_72, %swap3A_73] : memref<20008x64xi32, #tpu.memory_space<vmem>>, vector<10000x64xi32>
    tpu.vector_store %arg4[%swap3A_72, %swap3A_73], %or3A_71 {strides = array<i32>} : memref<20008x64xi32, #tpu.memory_space<vmem>>, vector<10000x64xi32>,
    %broadcast_in_dim3A = arith.constant 0 : i32
    %broadcast_in_dim3A_75 = vector.broadcast %broadcast_in_dim3A : i32 to vector<8x64xi32>
    %swap3A_76 = arith.constant 20000 : index
    %swap3A_77 = arith.constant 0 : index
    %swap3A_78 = vector.load %arg4[%swap3A_76, %swap3A_77] : memref<20008x64xi32, #tpu.memory_space<vmem>>, vector<8x64xi32>
    tpu.vector_store %arg4[%swap3A_76, %swap3A_77], %broadcast_in_dim3A_75 {strides = array<i32>} : memref<20008x64xi32, #tpu.memory_space<vmem>>, vector<8x64xi32>,
    %get3A_79 = arith.constant 0 : index
    %get3A_80 = arith.constant 0 : index
    %get3A_81 = arith.constant 0 : index
    %get3A_82 = vector.load %arg2[%get3A_79, %get3A_80, %get3A_81] : memref<2x5000x64xi32, #tpu.memory_space<vmem>>, vector<1x5000x64xi32>
    %get3A_83 = vector.shape_cast %get3A_82 : vector<1x5000x64xi32> to vector<5000x64xi32>
    %swap3A_84 = arith.constant 0 : index
    %swap3A_85 = arith.constant 0 : index
    %swap3A_86 = vector.load %arg5[%swap3A_84, %swap3A_85] : memref<10240x64xi32, #tpu.memory_space<vmem>>, vector<5000x64xi32>
    tpu.vector_store %arg5[%swap3A_84, %swap3A_85], %get3A_83 {strides = array<i32>} : memref<10240x64xi32, #tpu.memory_space<vmem>>, vector<5000x64xi32>,
    %broadcast_in_dim3A_87 = arith.constant 20000 : i32
    %broadcast_in_dim3A_88 = vector.broadcast %broadcast_in_dim3A_87 : i32 to vector<120x64xi32>
    %swap3A_89 = arith.constant 5000 : index
    %swap3A_90 = arith.constant 0 : index
    %swap3A_91 = vector.load %arg5[%swap3A_89, %swap3A_90] : memref<10240x64xi32, #tpu.memory_space<vmem>>, vector<120x64xi32>
    tpu.vector_store %arg5[%swap3A_89, %swap3A_90], %broadcast_in_dim3A_88 {strides = array<i32>} : memref<10240x64xi32, #tpu.memory_space<vmem>>, vector<120x64xi32>,
    %get3A_92 = arith.constant 0 : index
    %get3A_93 = arith.constant 0 : index
    %get3A_94 = arith.constant 0 : index
    %get3A_95 = vector.load %arg3[%get3A_92, %get3A_93, %get3A_94] : memref<2x5000x64xi32, #tpu.memory_space<vmem>>, vector<1x5000x64xi32>
    %get3A_96 = vector.shape_cast %get3A_95 : vector<1x5000x64xi32> to vector<5000x64xi32>
    %add3A_97 = arith.constant 10000 : i32
    %add3A_98 = vector.broadcast %add3A_97 : i32 to vector<5000x64xi32>
    %add3A_99 = arith.addi %get3A_96, %add3A_98 : vector<5000x64xi32>
    %swap3A_100 = arith.constant 5120 : index
    %swap3A_101 = arith.constant 0 : index
    %swap3A_102 = vector.load %arg5[%swap3A_100, %swap3A_101] : memref<10240x64xi32, #tpu.memory_space<vmem>>, vector<5000x64xi32>
    tpu.vector_store %arg5[%swap3A_100, %swap3A_101], %add3A_99 {strides = array<i32>} : memref<10240x64xi32, #tpu.memory_space<vmem>>, vector<5000x64xi32>,
    %broadcast_in_dim3A_103 = arith.constant 20000 : i32
    %broadcast_in_dim3A_104 = vector.broadcast %broadcast_in_dim3A_103 : i32 to vector<120x64xi32>
    %swap3A_105 = arith.constant 10120 : index
    %swap3A_106 = arith.constant 0 : index
    %swap3A_107 = vector.load %arg5[%swap3A_105, %swap3A_106] : memref<10240x64xi32, #tpu.memory_space<vmem>>, vector<120x64xi32>
    tpu.vector_store %arg5[%swap3A_105, %swap3A_106], %broadcast_in_dim3A_104 {strides = array<i32>} : memref<10240x64xi32, #tpu.memory_space<vmem>>, vector<120x64xi32>,
    %get3A_108 = arith.constant 1 : index
    %get3A_109 = arith.constant 0 : index
    %get3A_110 = arith.constant 0 : index
    %get3A_111 = vector.load %arg2[%get3A_108, %get3A_109, %get3A_110] : memref<2x5000x64xi32, #tpu.memory_space<vmem>>, vector<1x5000x64xi32>
    %get3A_112 = vector.shape_cast %get3A_111 : vector<1x5000x64xi32> to vector<5000x64xi32>
    %swap3A_113 = arith.constant 0 : index
    %swap3A_114 = arith.constant 0 : index
    %swap3A_115 = vector.load %arg6[%swap3A_113, %swap3A_114] : memref<10240x64xi32, #tpu.memory_space<vmem>>, vector<5000x64xi32>
    tpu.vector_store %arg6[%swap3A_113, %swap3A_114], %get3A_112 {strides = array<i32>} : memref<10240x64xi32, #tpu.memory_space<vmem>>, vector<5000x64xi32>,
    %broadcast_in_dim3A_116 = arith.constant 10000 : i32
    %broadcast_in_dim3A_117 = vector.broadcast %broadcast_in_dim3A_116 : i32 to vector<120x64xi32>
    %swap3A_118 = arith.constant 5000 : index
    %swap3A_119 = arith.constant 0 : index
    %swap3A_120 = vector.load %arg6[%swap3A_118, %swap3A_119] : memref<10240x64xi32, #tpu.memory_space<vmem>>, vector<120x64xi32>
    tpu.vector_store %arg6[%swap3A_118, %swap3A_119], %broadcast_in_dim3A_117 {strides = array<i32>} : memref<10240x64xi32, #tpu.memory_space<vmem>>, vector<120x64xi32>,
    %get3A_121 = arith.constant 1 : index
    %get3A_122 = arith.constant 0 : index
    %get3A_123 = arith.constant 0 : index
    %get3A_124 = vector.load %arg3[%get3A_121, %get3A_122, %get3A_123] : memref<2x5000x64xi32, #tpu.memory_space<vmem>>, vector<1x5000x64xi32>
    %get3A_125 = vector.shape_cast %get3A_124 : vector<1x5000x64xi32> to vector<5000x64xi32>
    %swap3A_126 = arith.constant 5120 : index
    %swap3A_127 = arith.constant 0 : index
    %swap3A_128 = vector.load %arg6[%swap3A_126, %swap3A_127] : memref<10240x64xi32, #tpu.memory_space<vmem>>, vector<5000x64xi32>
    tpu.vector_store %arg6[%swap3A_126, %swap3A_127], %get3A_125 {strides = array<i32>} : memref<10240x64xi32, #tpu.memory_space<vmem>>, vector<5000x64xi32>,
    %broadcast_in_dim3A_129 = arith.constant 10000 : i32
    %broadcast_in_dim3A_130 = vector.broadcast %broadcast_in_dim3A_129 : i32 to vector<120x64xi32>
    %swap3A_131 = arith.constant 10120 : index
    %swap3A_132 = arith.constant 0 : index
    %swap3A_133 = vector.load %arg6[%swap3A_131, %swap3A_132] : memref<10240x64xi32, #tpu.memory_space<vmem>>, vector<120x64xi32>
    tpu.vector_store %arg6[%swap3A_131, %swap3A_132], %broadcast_in_dim3A_130 {strides = array<i32>} : memref<10240x64xi32, #tpu.memory_space<vmem>>, vector<120x64xi32>,
    return
  }
}

module attributes {stable_mosaic.version = 14 : i64} {
  func.func @_fuse_body(%arg0: i32, %arg1: memref<2x1000x144xf32, #tpu.memory_space<vmem>>, %arg2: memref<128x128xf32, #tpu.memory_space<vmem>>, %arg3: memref<1x128xf32, #tpu.memory_space<vmem>>, %arg4: memref<128x128xf32, #tpu.memory_space<vmem>>, %arg5: memref<1x128xf32, #tpu.memory_space<vmem>>, %arg6: memref<128x1xf32, #tpu.memory_space<vmem>>, %arg7: memref<1x128xf32, #tpu.memory_space<vmem>>, %arg8: memref<1x128xf32, #tpu.memory_space<vmem>>, %arg9: memref<1000x128xf32, #tpu.memory_space<vmem>>) attributes {dimension_semantics = [#tpu.dimension_semantics<arbitrary>], iteration_bounds = array<i64: 10>, scalar_prefetch = 0 : i64, scratch_operands = 0 : i64, tpu.core_type = #tpu.core_type<tc>, window_params = [{transform_indices = @transform_0, window_bounds = array<i64: 2, 1000, 144>}, {pipeline_mode = #tpu.pipeline_mode<synchronous>, transform_indices = @transform_1, window_bounds = array<i64: 128, 128>}, {pipeline_mode = #tpu.pipeline_mode<synchronous>, transform_indices = @transform_2, window_bounds = array<i64: 1, 128>}, {pipeline_mode = #tpu.pipeline_mode<synchronous>, transform_indices = @transform_3, window_bounds = array<i64: 128, 128>}, {pipeline_mode = #tpu.pipeline_mode<synchronous>, transform_indices = @transform_4, window_bounds = array<i64: 1, 128>}, {pipeline_mode = #tpu.pipeline_mode<synchronous>, transform_indices = @transform_5, window_bounds = array<i64: 128, 1>}, {pipeline_mode = #tpu.pipeline_mode<synchronous>, transform_indices = @transform_6, window_bounds = array<i64: 1, 128>}, {pipeline_mode = #tpu.pipeline_mode<synchronous>, transform_indices = @transform_7, window_bounds = array<i64: 1, 128>}, {transform_indices = @transform_8, window_bounds = array<i64: 1000, 128>}]} {
    %get3A = arith.constant 0 : index
    %get3A_0 = arith.constant 0 : index
    %get3A_1 = arith.constant 0 : index
    %get3A_2 = vector.load %arg1[%get3A, %get3A_0, %get3A_1] : memref<2x1000x144xf32, #tpu.memory_space<vmem>>, vector<1x1000x144xf32>
    %get3A_3 = vector.shape_cast %get3A_2 : vector<1x1000x144xf32> to vector<1000x144xf32>
    %get3A_4 = arith.constant 1 : index
    %get3A_5 = arith.constant 0 : index
    %get3A_6 = arith.constant 0 : index
    %get3A_7 = vector.load %arg1[%get3A_4, %get3A_5, %get3A_6] : memref<2x1000x144xf32, #tpu.memory_space<vmem>>, vector<1x1000x144xf32>
    %get3A_8 = vector.shape_cast %get3A_7 : vector<1x1000x144xf32> to vector<1000x144xf32>
    %slice3A = vector.extract_strided_slice %get3A_3 {offsets = [0, 128], sizes = [1000, 16], strides = [1, 1]} : vector<1000x144xf32> to vector<1000x16xf32>
    %reduce_sum3A = arith.constant dense<0.000000e+00> : vector<1000xf32>
    %reduce_sum3A_9 = vector.multi_reduction <add>, %slice3A, %reduce_sum3A [1] : vector<1000x16xf32> to vector<1000xf32>
    %broadcast_in_dim3A = vector.shape_cast %reduce_sum3A_9 : vector<1000xf32> to vector<1000x1xf32>
    %slice3A_10 = vector.extract_strided_slice %get3A_8 {offsets = [0, 128], sizes = [1000, 16], strides = [1, 1]} : vector<1000x144xf32> to vector<1000x16xf32>
    %reduce_sum3A_11 = arith.constant dense<0.000000e+00> : vector<1000xf32>
    %reduce_sum3A_12 = vector.multi_reduction <add>, %slice3A_10, %reduce_sum3A_11 [1] : vector<1000x16xf32> to vector<1000xf32>
    %broadcast_in_dim3A_13 = vector.shape_cast %reduce_sum3A_12 : vector<1000xf32> to vector<1000x1xf32>
    %slice3A_14 = vector.extract_strided_slice %get3A_3 {offsets = [0, 0], sizes = [1000, 128], strides = [1, 1]} : vector<1000x144xf32> to vector<1000x128xf32>
    %max3A = arith.constant 1.000000e+00 : f32
    %max3A_15 = vector.broadcast %max3A : f32 to vector<1000x1xf32>
    %max3A_16 = arith.maximumf %broadcast_in_dim3A, %max3A_15 : vector<1000x1xf32>
    %div3A = vector.broadcast %max3A_16 : vector<1000x1xf32> to vector<1000x128xf32>
    %div3A_17 = arith.divf %slice3A_14, %div3A : vector<1000x128xf32>
    %slice3A_18 = vector.extract_strided_slice %get3A_8 {offsets = [0, 0], sizes = [1000, 128], strides = [1, 1]} : vector<1000x144xf32> to vector<1000x128xf32>
    %max3A_19 = arith.constant 1.000000e+00 : f32
    %max3A_20 = vector.broadcast %max3A_19 : f32 to vector<1000x1xf32>
    %max3A_21 = arith.maximumf %broadcast_in_dim3A_13, %max3A_20 : vector<1000x1xf32>
    %div3A_22 = vector.broadcast %max3A_21 : vector<1000x1xf32> to vector<1000x128xf32>
    %div3A_23 = arith.divf %slice3A_18, %div3A_22 : vector<1000x128xf32>
    %get3A_24 = arith.constant 0 : index
    %get3A_25 = arith.constant 0 : index
    %get3A_26 = vector.load %arg2[%get3A_24, %get3A_25] : memref<128x128xf32, #tpu.memory_space<vmem>>, vector<128x128xf32>
    %dot_general3A = arith.constant dense<0.000000e+00> : vector<1000x128xf32>
    %dot_general3A_27 = tpu.matmul %div3A_17, %get3A_26, %dot_general3A {dimension_numbers = #tpu.dot_dimension_numbers<[1], [0], [0], [1], [0, 0, 1, 1], [], []>, transpose_lhs_hint = false} : vector<1000x128xf32>, vector<128x128xf32>, vector<1000x128xf32> -> vector<1000x128xf32>
    %get3A_28 = arith.constant 0 : index
    %get3A_29 = arith.constant 0 : index
    %get3A_30 = vector.load %arg3[%get3A_28, %get3A_29] : memref<1x128xf32, #tpu.memory_space<vmem>>, vector<1x128xf32>
    %add3A = vector.broadcast %get3A_30 : vector<1x128xf32> to vector<1000x128xf32>
    %add3A_31 = arith.addf %dot_general3A_27, %add3A : vector<1000x128xf32>
    %get3A_32 = arith.constant 0 : index
    %get3A_33 = arith.constant 0 : index
    %get3A_34 = vector.load %arg4[%get3A_32, %get3A_33] : memref<128x128xf32, #tpu.memory_space<vmem>>, vector<128x128xf32>
    %dot_general3A_35 = arith.constant dense<0.000000e+00> : vector<1000x128xf32>
    %dot_general3A_36 = tpu.matmul %div3A_23, %get3A_34, %dot_general3A_35 {dimension_numbers = #tpu.dot_dimension_numbers<[1], [0], [0], [1], [0, 0, 1, 1], [], []>, transpose_lhs_hint = false} : vector<1000x128xf32>, vector<128x128xf32>, vector<1000x128xf32> -> vector<1000x128xf32>
    %get3A_37 = arith.constant 0 : index
    %get3A_38 = arith.constant 0 : index
    %get3A_39 = vector.load %arg5[%get3A_37, %get3A_38] : memref<1x128xf32, #tpu.memory_space<vmem>>, vector<1x128xf32>
    %add3A_40 = vector.broadcast %get3A_39 : vector<1x128xf32> to vector<1000x128xf32>
    %add3A_41 = arith.addf %dot_general3A_36, %add3A_40 : vector<1000x128xf32>
    %tanh3A = math.tanh %add3A_31 : vector<1000x128xf32>
    %get3A_42 = arith.constant 0 : index
    %get3A_43 = arith.constant 0 : index
    %get3A_44 = vector.load %arg6[%get3A_42, %get3A_43] : memref<128x1xf32, #tpu.memory_space<vmem>>, vector<128x1xf32>
    %dot_general3A_45 = arith.constant dense<0.000000e+00> : vector<1000x1xf32>
    %dot_general3A_46 = tpu.matmul %tanh3A, %get3A_44, %dot_general3A_45 {dimension_numbers = #tpu.dot_dimension_numbers<[1], [0], [0], [1], [0, 0, 1, 1], [], []>, transpose_lhs_hint = false} : vector<1000x128xf32>, vector<128x1xf32>, vector<1000x1xf32> -> vector<1000x1xf32>
    %tanh3A_47 = math.tanh %add3A_41 : vector<1000x128xf32>
    %get3A_48 = arith.constant 0 : index
    %get3A_49 = arith.constant 0 : index
    %get3A_50 = vector.load %arg6[%get3A_48, %get3A_49] : memref<128x1xf32, #tpu.memory_space<vmem>>, vector<128x1xf32>
    %dot_general3A_51 = arith.constant dense<0.000000e+00> : vector<1000x1xf32>
    %dot_general3A_52 = tpu.matmul %tanh3A_47, %get3A_50, %dot_general3A_51 {dimension_numbers = #tpu.dot_dimension_numbers<[1], [0], [0], [1], [0, 0, 1, 1], [], []>, transpose_lhs_hint = false} : vector<1000x128xf32>, vector<128x1xf32>, vector<1000x1xf32> -> vector<1000x1xf32>
    %max3A_53 = arith.maximumf %dot_general3A_46, %dot_general3A_52 : vector<1000x1xf32>
    %sub3A = arith.subf %dot_general3A_46, %max3A_53 : vector<1000x1xf32>
    %exp3A = math.exp %sub3A : vector<1000x1xf32>
    %sub3A_54 = arith.subf %dot_general3A_52, %max3A_53 : vector<1000x1xf32>
    %exp3A_55 = math.exp %sub3A_54 : vector<1000x1xf32>
    %add3A_56 = arith.addf %exp3A, %exp3A_55 : vector<1000x1xf32>
    %div3A_57 = arith.constant 1.000000e+00 : f32
    %div3A_58 = vector.broadcast %div3A_57 : f32 to vector<1000x1xf32>
    %div3A_59 = arith.divf %div3A_58, %add3A_56 : vector<1000x1xf32>
    %mul3A = arith.mulf %exp3A, %div3A_59 : vector<1000x1xf32>
    %mul3A_60 = vector.broadcast %mul3A : vector<1000x1xf32> to vector<1000x128xf32>
    %mul3A_61 = arith.mulf %mul3A_60, %add3A_31 : vector<1000x128xf32>
    %mul3A_62 = arith.mulf %exp3A_55, %div3A_59 : vector<1000x1xf32>
    %mul3A_63 = vector.broadcast %mul3A_62 : vector<1000x1xf32> to vector<1000x128xf32>
    %mul3A_64 = arith.mulf %mul3A_63, %add3A_41 : vector<1000x128xf32>
    %add3A_65 = arith.addf %mul3A_61, %mul3A_64 : vector<1000x128xf32>
    %max3A_66 = arith.constant 0.000000e+00 : f32
    %max3A_67 = vector.broadcast %max3A_66 : f32 to vector<1000x128xf32>
    %max3A_68 = arith.maximumf %add3A_65, %max3A_67 : vector<1000x128xf32>
    %reduce_sum3A_69 = arith.constant dense<0.000000e+00> : vector<1000xf32>
    %reduce_sum3A_70 = vector.multi_reduction <add>, %max3A_68, %reduce_sum3A_69 [1] : vector<1000x128xf32> to vector<1000xf32>
    %broadcast_in_dim3A_71 = vector.shape_cast %reduce_sum3A_70 : vector<1000xf32> to vector<1000x1xf32>
    %div3A_72 = arith.constant 1.280000e+02 : f32
    %div3A_73 = vector.broadcast %div3A_72 : f32 to vector<1000x1xf32>
    %div3A_74 = arith.divf %broadcast_in_dim3A_71, %div3A_73 : vector<1000x1xf32>
    %sub3A_75 = vector.broadcast %div3A_74 : vector<1000x1xf32> to vector<1000x128xf32>
    %sub3A_76 = arith.subf %max3A_68, %sub3A_75 : vector<1000x128xf32>
    %square3A = arith.mulf %sub3A_76, %sub3A_76 : vector<1000x128xf32>
    %reduce_sum3A_77 = arith.constant dense<0.000000e+00> : vector<1000xf32>
    %reduce_sum3A_78 = vector.multi_reduction <add>, %square3A, %reduce_sum3A_77 [1] : vector<1000x128xf32> to vector<1000xf32>
    %broadcast_in_dim3A_79 = vector.shape_cast %reduce_sum3A_78 : vector<1000xf32> to vector<1000x1xf32>
    %div3A_80 = arith.constant 1.280000e+02 : f32
    %div3A_81 = vector.broadcast %div3A_80 : f32 to vector<1000x1xf32>
    %div3A_82 = arith.divf %broadcast_in_dim3A_79, %div3A_81 : vector<1000x1xf32>
    %sub3A_83 = vector.broadcast %div3A_74 : vector<1000x1xf32> to vector<1000x128xf32>
    %sub3A_84 = arith.subf %max3A_68, %sub3A_83 : vector<1000x128xf32>
    %add3A_85 = arith.constant 9.99999974E-6 : f32
    %add3A_86 = vector.broadcast %add3A_85 : f32 to vector<1000x1xf32>
    %add3A_87 = arith.addf %div3A_82, %add3A_86 : vector<1000x1xf32>
    %rsqrt3A = math.rsqrt %add3A_87 : vector<1000x1xf32>
    %mul3A_88 = vector.broadcast %rsqrt3A : vector<1000x1xf32> to vector<1000x128xf32>
    %mul3A_89 = arith.mulf %sub3A_84, %mul3A_88 : vector<1000x128xf32>
    %get3A_90 = arith.constant 0 : index
    %get3A_91 = arith.constant 0 : index
    %get3A_92 = vector.load %arg7[%get3A_90, %get3A_91] : memref<1x128xf32, #tpu.memory_space<vmem>>, vector<1x128xf32>
    %mul3A_93 = vector.broadcast %get3A_92 : vector<1x128xf32> to vector<1000x128xf32>
    %mul3A_94 = arith.mulf %mul3A_89, %mul3A_93 : vector<1000x128xf32>
    %get3A_95 = arith.constant 0 : index
    %get3A_96 = arith.constant 0 : index
    %get3A_97 = vector.load %arg8[%get3A_95, %get3A_96] : memref<1x128xf32, #tpu.memory_space<vmem>>, vector<1x128xf32>
    %add3A_98 = vector.broadcast %get3A_97 : vector<1x128xf32> to vector<1000x128xf32>
    %add3A_99 = arith.addf %mul3A_94, %add3A_98 : vector<1000x128xf32>
    %swap3A = arith.constant 0 : index
    %swap3A_100 = arith.constant 0 : index
    %swap3A_101 = vector.load %arg9[%swap3A, %swap3A_100] : memref<1000x128xf32, #tpu.memory_space<vmem>>, vector<1000x128xf32>
    tpu.vector_store %arg9[%swap3A, %swap3A_100], %add3A_99 {strides = array<i32>} : memref<1000x128xf32, #tpu.memory_space<vmem>>, vector<1000x128xf32>,
    return
  }
  func.func @transform_0(%arg0: i32) -> (i32, i32, i32) {
    %c0_i32 = arith.constant 0 : i32
    %c0_i32_0 = arith.constant 0 : i32
    %c0_i32_1 = arith.constant 0 : i32
    return %c0_i32, %arg0, %c0_i32_0 : i32, i32, i32
  }
  func.func @transform_1(%arg0: i32) -> (i32, i32) {
    %c0_i32 = arith.constant 0 : i32
    %c0_i32_0 = arith.constant 0 : i32
    %c0_i32_1 = arith.constant 0 : i32
    return %c0_i32, %c0_i32_0 : i32, i32
  }
  func.func @transform_2(%arg0: i32) -> (i32, i32) {
    %c0_i32 = arith.constant 0 : i32
    %c0_i32_0 = arith.constant 0 : i32
    %c0_i32_1 = arith.constant 0 : i32
    return %c0_i32, %c0_i32_0 : i32, i32
  }
  func.func @transform_3(%arg0: i32) -> (i32, i32) {
    %c0_i32 = arith.constant 0 : i32
    %c0_i32_0 = arith.constant 0 : i32
    %c0_i32_1 = arith.constant 0 : i32
    return %c0_i32, %c0_i32_0 : i32, i32
  }
  func.func @transform_4(%arg0: i32) -> (i32, i32) {
    %c0_i32 = arith.constant 0 : i32
    %c0_i32_0 = arith.constant 0 : i32
    %c0_i32_1 = arith.constant 0 : i32
    return %c0_i32, %c0_i32_0 : i32, i32
  }
  func.func @transform_5(%arg0: i32) -> (i32, i32) {
    %c0_i32 = arith.constant 0 : i32
    %c0_i32_0 = arith.constant 0 : i32
    %c0_i32_1 = arith.constant 0 : i32
    return %c0_i32, %c0_i32_0 : i32, i32
  }
  func.func @transform_6(%arg0: i32) -> (i32, i32) {
    %c0_i32 = arith.constant 0 : i32
    %c0_i32_0 = arith.constant 0 : i32
    %c0_i32_1 = arith.constant 0 : i32
    return %c0_i32, %c0_i32_0 : i32, i32
  }
  func.func @transform_7(%arg0: i32) -> (i32, i32) {
    %c0_i32 = arith.constant 0 : i32
    %c0_i32_0 = arith.constant 0 : i32
    %c0_i32_1 = arith.constant 0 : i32
    return %c0_i32, %c0_i32_0 : i32, i32
  }
  func.func @transform_8(%arg0: i32) -> (i32, i32) {
    %c0_i32 = arith.constant 0 : i32
    %c0_i32_0 = arith.constant 0 : i32
    return %arg0, %c0_i32 : i32, i32
  }
}

</mosaic_0001>

<sc_bundles>
// kernel: kernel.5.cloned.1.call-start
scs
__scs_entry_jumppad:
0x0: {  	(pc) =	sbr.rel $0x88, $3  }
0x1: {  	(tag) =	ssettag $0x0;
	lr =	simm.s32 $0x1  }
0x2: {  	[smem:$0x3F96] =	sst lr;
	_ =	strace $0xD0000000  }
0x3: {  	_ = 	snop  }
0x4: {  	_ = 	snop  }
0x5: {  	_ = 	snop  }
0x6: {  	_ = 	snop  }
0x7: {  	_ = 	snop  }
__scs_overlays_trampoline_lowered:
0x8: {  	[smem:$0x3FA5] =	sst s0  }
0x9: {  	[smem:$0x3FA6] =	sst s1  }
0xa: {  	[smem:$0x3FA7] =	sst s2  }
0xb: {  	[smem:$0x3FA8] =	sst s3  }
0xc: {  	[smem:$0x3FA9] =	sst s4  }
0xd: {  	[smem:$0x3FAA] =	sst s5  }
0xe: {  	[smem:$0x3FAB] =	sst s6  }
0xf: {  	[smem:$0x3FAC] =	sst s7  }
0x10: {  	[smem:$0x3FAD] =	sst s8  }
0x11: {  	[smem:$0x3FAE] =	sst s9;
	s0 =	simm.s32 @!p0 $0x0  }
0x12: {  	s1 =	sld [smem:$0x3F94];
	s0 =	simm.s32 @p0 $0x1  }
0x13: {  	[smem:$0x3FAF] =	sst s0;
	s0 =	simm.s32 @!p1 $0x0  }
0x14: {  	s2 =	sld [smem:$0x3F93];
	s0 =	simm.s32 @p1 $0x1  }
0x15: {  	[smem:$0x3FB0] =	sst s0;
	s0 =	simm.s32 @!p2 $0x0  }
0x16: {  	s3 =	sld [smem:$0x3FDB];
	s0 =	simm.s32 @p2 $0x1  }
0x17: {  	s4 =	simm.s32 $0x1BF5;
	[smem:$0x3FB2] =	sst s0  }
0x18: {  	s0 =	sld [smem:$0x3F95];
	_ =	swait.ge [sflag:s4], $0x0  }
0x19: {  	s7 =	sld [smem:$0x3F96]  }
0x1a: {  	s8 =	sadd.s32 $0xFFFFE003, lr  }
0x1b: {  	s9 =	sadd.s32 $0xFFFFFEF7, lr;
	s5 =	simm.s32 $0xFFFFFFFF;
	p2 =	slt.u32 s8, $0xFFFFF086  }
0x1c: {  	p1 =	slt.u32 s9, $0xF7A;
	s5 =	simm.s32 @!p2 $0x0  }
0x1d: {  	s5 =	simm.s32 @p1 $0x1;
	p0 =	seq.s32 s7, s2  }
0x1e: {  	s7 =	smul.u32 @!p0 $0xF7A, s2;
	p2 =	seq.s32 @!p0 s5, $0x0  }
0x1f: {  	s9 =	smul.u32 $0xF7A, s1;
	s8 =	simm.s32 @!p0 $0x1BF5;
	p2 =	por !p2, p0  }
0x20: {  	[sflag:s8] =	ssyncset.s32 @!p0 $0xFFFFF086;
	s6 =	sadd.s32 @!p0 s3, s7;
	s7 =	simm.s32 @!p0 $0x108  }
0x21: {  	s3 =	sadd.s32 s3, s9;
	s6 =	sadd.s32 @!p0 $0x88, s6;
	s7 =	simm.s32 @p2 $0x1082  }
0x22: {  	[simem:s7], [sflag:s8] =	dma.local @!p0 [hbm:s6], $0xF7A  }
0x23: {  	s9 =	sor.u32 $0xD0000000, s2;
	s6 =	simm.s32 $0x108;
	_ =	swait.ge @!p0 [sflag:s8], $0x0  }
0x24: {  	s3 =	sadd.s32 $0x88, s3;
	s6 =	simm.s32 @!p1 $0x1082;
	[sflag:s4] =	ssyncset.s32 $0xFFFFF086  }
0x25: {  	[simem:s6], [sflag:s4] =	dma.local [hbm:s3], $0xF7A  }
0x26: {  	[smem:$0x3F96] =	sst s1;
	(tag) =	ssettag s2;
	_ =	strace s9  }
0x27: {  	s1 =	sld [smem:$0x3FA6]  }
0x28: {  	s2 =	sld [smem:$0x3FA7]  }
0x29: {  	s4 =	sld [smem:$0x3FA9]  }
0x2a: {  	p0 =	seq.s32 s5, $0x0;
	s5 =	sld [smem:$0x3FAA]  }
0x2b: {  	s6 =	sld [smem:$0x3FAB]  }
0x2c: {  	s7 =	sld [smem:$0x3FAC]  }
0x2d: {  	s3 =	simm.s32 $0x108;
	s8 =	sld [smem:$0x3FAD]  }
0x2e: {  	s3 =	simm.s32 @!p0 $0x1082;
	s9 =	sld [smem:$0x3FAE]  }
0x2f: {  	lr =	sadd.s32 s0, s3;
	s0 =	sld [smem:$0x3FA5]  }
0x30: {  	s3 =	sld [smem:$0x3FA8]  }
0x31: {  	[smem:$0x3FB1] =	sst s10  }
0x32: {  	s10 =	sld [smem:$0x3FAF];
	_ =	sdelay $0x3  }
0x33: {  	p0 =	seq.s32 s10, $0x1;
	s10 =	sld [smem:$0x3FB1];
	_ =	sdelay $0x3  }
0x34: {  	[smem:$0x3FB1] =	sst s10  }
0x35: {  	s10 =	sld [smem:$0x3FB0];
	_ =	sdelay $0x3  }
0x36: {  	p1 =	seq.s32 s10, $0x1;
	s10 =	sld [smem:$0x3FB1];
	_ =	sdelay $0x3  }
0x37: {  	[smem:$0x3FB1] =	sst s10  }
0x38: {  	s10 =	sld [smem:$0x3FB2]  }
0x39: {  	_ = 	snop;
	(pc) =	sbr.ind lr, $3  }
0x3a: {  	_ = 	snop  }
0x3b: {  	_ = 	snop  }
0x3c: {  	p2 =	seq.s32 s10, $0x1;
	s10 =	sld [smem:$0x3FB1]  }
0x3d: {  	_ =	shalt  }
0x3e: {  	_ =	shalt  }
0x3f: {  	_ =	shalt  }
0x40: {  	_ =	shalt  }
0x41: {  	_ =	shalt  }
0x42: {  	_ =	shalt  }
0x43: {  	_ =	shalt  }
0x44: {  	_ =	shalt  }
0x45: {  	_ =	shalt  }
0x46: {  	_ =	shalt  }
0x47: {  	_ =	shalt  }
0x48: {  	_ =	shalt  }
0x49: {  	_ =	shalt  }
0x4a: {  	_ =	shalt  }
0x4b: {  	_ =	shalt  }
0x4c: {  	_ =	shalt  }
0x4d: {  	_ =	shalt  }
0x4e: {  	_ =	shalt  }
0x4f: {  	_ =	shalt  }
0x50: {  	_ =	shalt  }
0x51: {  	_ =	shalt  }
0x52: {  	_ =	shalt  }
0x53: {  	_ =	shalt  }
0x54: {  	_ =	shalt  }
0x55: {  	_ =	shalt  }
0x56: {  	_ =	shalt  }
0x57: {  	_ =	shalt  }
0x58: {  	_ =	shalt  }
0x59: {  	_ =	shalt  }
0x5a: {  	_ =	shalt  }
0x5b: {  	_ =	shalt  }
0x5c: {  	_ =	shalt  }
0x5d: {  	_ =	shalt  }
0x5e: {  	_ =	shalt  }
0x5f: {  	_ =	shalt  }
0x60: {  	_ =	shalt  }
0x61: {  	_ =	shalt  }
0x62: {  	_ =	shalt  }
0x63: {  	_ =	shalt  }
0x64: {  	_ =	shalt  }
0x65: {  	_ =	shalt  }
0x66: {  	_ =	shalt  }
0x67: {  	_ =	shalt  }
0x68: {  	_ =	shalt  }
0x69: {  	_ =	shalt  }
0x6a: {  	_ =	shalt  }
0x6b: {  	_ =	shalt  }
0x6c: {  	_ =	shalt  }
0x6d: {  	_ =	shalt  }
0x6e: {  	_ =	shalt  }
0x6f: {  	_ =	shalt  }
0x70: {  	_ =	shalt  }
0x71: {  	_ =	shalt  }
0x72: {  	_ =	shalt  }
0x73: {  	_ =	shalt  }
0x74: {  	_ =	shalt  }
0x75: {  	_ =	shalt  }
0x76: {  	_ =	shalt  }
0x77: {  	_ =	shalt  }
0x78: {  	_ =	shalt  }
0x79: {  	_ =	shalt  }
0x7a: {  	_ =	shalt  }
0x7b: {  	_ =	shalt  }
0x7c: {  	_ =	shalt  }
0x7d: {  	_ =	shalt  }
0x7e: {  	_ =	shalt  }
0x7f: {  	_ =	shalt  }
0x80: {  	_ =	shalt  }
0x81: {  	_ =	shalt  }
0x82: {  	_ =	shalt  }
0x83: {  	_ =	shalt  }
0x84: {  	_ =	shalt  }
0x85: {  	_ =	shalt  }
0x86: {  	_ =	shalt  }
0x87: {  	_ =	shalt  }
.Lfunc_end0:
.L_simem_size_0:
called_computation_lowered:
.L_overlay_start_0:
0x88: {  	s2 =	sld [smem:$0x3FD9]  }
0x89: {  	s3 =	sld [smem:$0x3FFE];
	_ =	sdelay $0x1  }
0x8a: {  	s1 =	srdreg.scid  }
0x8b: {  	s0 =	sand.u32 $0x1, s1  }
0x8c: {  	s14 =	sshll.u32 s0, $0xA;
	s2 =	sadd.s32 s3, s2  }
0x8d: {  	s2 =	sadd.s32 s2, s14  }
0x8e: {  	[smem:$0x3FBD] =	sst s2  }
0x8f: {  	_ = 	snop  }
0x90: {  	s2 =	sld [smem:$0x3FD0];
	_ =	sdelay $0x2  }
0x91: {  	s15 =	simm.s32 $0xA;
	s4 =	simm.s32 $0x10  }
0x92: {  	[smem:s4], [sflag:s15] =	dma.local [hbm:s2], $0x1  }
0x93: {  	_ =	swait.eq [sflag:s15], $0x1  }
0x94: {  	[sflag:s15] =	ssyncset.done $0x0  }
0x95: {  	s16 =	sld [smem:$0x10];
	[sflag:s15] =	ssyncadd.s32 $0xFFFFFFFF  }
0x96: {  	s17 =	sld [smem:$0x11];
	(tm) =	ssettm $0x1  }
0x97: {  	s18 =	sld [smem:$0x3FFB];
	_ =	sdelay $0x3  }
0x98: {  	_ =	strace s18  }
0x99: {  	s4 =	sld [smem:$0x3FFC];
	_ =	sdelay $0x3  }
0x9a: {  	_ =	strace s4  }
0x9b: {  	s4 =	sld [smem:$0x3FFD];
	_ =	sdelay $0x3  }
0x9c: {  	_ =	strace s4  }
0x9d: {  	_ =	strace $0x8FFFFFFF  }
0x9e: {  	s19 =	sld [smem:$0x3FDB];
	_ =	sdelay $0x1  }
0x9f: {  	s5 =	simm.s32 $_scs_section_size  }
0xa0: {  	s6 =	simm.s32 $_size__tile_overlayer_lowered;
	s7 =	simm.s32 $_tile_overlayer_lowered  }
0xa1: {  	s22 =	simm.s32 $0x1BFF;
	s21 =	sshll.u32 s7, $0x1;
	s4 =	sadd.s32 s5, s19  }
0xa2: {  	s8 =	simm.s32 $0x0;
	s20 =	sshll.u32 s6, $0x1;
	s6 =	sadd.s32 s21, s4  }
0xa3: {  	[timem:s8], [sflag:s22] =	dma.local [hbm:s6], s20  }
0xa4: {  	_ =	swait.ge [sflag:s22], s20  }
0xa5: {  	s5 =	ssub.s32 $0x0, s20;
	[sflag:s22] =	ssyncset.done $0x0  }
0xa6: {  	[sflag:s22] =	ssyncadd.s32 s5;
	_ =	sdelay $0x1  }
0xa7: {  	s23 =	simm.s32 $0x1B8B  }
0xa8: {  	_ =	swait.ge [sflag:s23], $0x1  }
0xa9: {  	[sflag:s23] =	ssyncset.done $0x0  }
0xaa: {  	s25 =	simm.s32 $0x1B8E;
	s24 =	sld [smem:$0x3FFE];
	[sflag:s23] =	ssyncadd.s32 $0xFFFFFFFF  }
0xab: {  	s26 =	simm.s32 $execute0_lowered;
	[smem:$0x3FD2] =	sst s25  }
0xac: {  	s6 =	sshll.u32 s26, $0x1;
	_ =	strace $0x80000046;
	[dreg:$0x1] =	wrdreg $0xFFFFFFFF  }
0xad: {  	s28 =	simm.s32 $_size_execute0_lowered;
	s4 =	sadd.s32 s4, s6;
	[dreg:$0x0] =	wrdreg $0x0  }
0xae: {  	s6 =	sshll.u32 s28, $0x1;
	[dreg:$0x2] =	wrdreg s4  }
0xaf: {  	[dreg:$0x3] =	wrdreg s6  }
0xb0: {  	[dreg:$0x4] =	wrdreg $0xC0  }
0xb1: {  	_ =	task [dreg:s8], $0x5FFFF  }
0xb2: {  	[dreg:$0x1] =	wrdreg $0xFFFFFFFF  }
0xb3: {  	[dreg:$0x0] =	wrdreg $0x60  }
0xb4: {  	[dreg:$0x2] =	wrdreg s24  }
0xb5: {  	[dreg:$0x3] =	wrdreg s17  }
0xb6: {  	[dreg:$0x4] =	wrdreg s16  }
0xb7: {  	[dreg:$0x5] =	wrdreg $0x78100  }
0xb8: {  	[dreg:$0x6] =	wrdreg $0x9  }
0xb9: {  	_ =	task.clear_ibuf [dreg:s8], $0x7FFFF;
	_ =	strace $0x90000046  }
0xba: {  	s29 =	simm.s32 $0x9;
	_ =	strace $0x80000048  }
0xbb: {  	_ =	swait.ge [sflag:s29], $0x1  }
0xbc: {  	[sflag:s29] =	ssyncadd.s32 $0xFFFFFFFF  }
0xbd: {  	_ =	strace $0x90000048  }
0xbe: {  	_ =	sfence  }
0xbf: {  	s30 =	sld [smem:$0x0];
	_ =	sdelay $0x2  }
0xc0: {  	s31 =	sshll.u32 s1, $0xD;
	s1 =	sshrl.u32 s1, $0x2  }
0xc1: {  	s3 =	sand.u32 $0x4000, s31;
	s1 =	sadd.s32 s1, s30  }
0xc2: {  	s0 =	sor.u32 s3, s0;
	s1 =	sshll.u32 s1, $0x11  }
0xc3: {  	s0 =	sor.u32 s1, s0  }
0xc4: {  	s0 =	sadd.s32 $0x8F2B, s0  }
0xc5: {  	[sflag:s0] =	ssyncadd.remote.s32 $0x1  }
0xc6: {  	_ =	sfence.sel $0xFFFF  }
0xc7: {  	[dreg:$0x0] =	wrdreg $0xFFFFFFFF;
	(pc) =	sbr.abs _section_cstart, $3  }
0xc8: {  	[dreg:$0x1] =	wrdreg $0xFFFFFFFF  }
0xc9: {  	_ =	task.clear_ibuf [dreg:s8], $0x2FFFF;
	_ =	strace $0x9FFFFFFF  }
0xca: {  	(tm) =	ssettm $0x7FFFFFFF  }
0xcb: {  	_ =	shalt  }
tec
execute0_lowered:
.L_overlay_start_1:
0x0: {  	(tag) =	ssettag $0x1  }
0x1: {  	s0 =	rddreg [dreg:$0x0]  }
0x2: {  	s1 =	rddreg [dreg:$0x1]  }
0x3: {  	s2 =	rddreg [dreg:$0x2]  }
0x4: {  	s4 =	rddreg [dreg:$0x3];
	s5 =	simm.s32 $0x0  }
0x5: {  	s3 =	srdreg.scid;
	s14 =	stileid.u32;
	s15 =	simm.s32 $0x1000  }
0x6: {  	s16 =	simm.s32 $0x800;
	s17 =	simm.s32 $0x40;
	s18 =	simm.s32 $0x1010  }
0x7: {  	s19 =	simm.s32 $0x2010;
	s20 =	simm.s32 $0x1;
	s21 =	simm.s32 $0x3010  }
0x8: {  	s22 =	simm.s32 $0x2;
	s23 =	simm.s32 $0x4;
	s24 =	simm.s32 $0x5410  }
0x9: {  	s28 =	simm.s32 $0x0;
	[smem:$0x7FF] =	sst s5;
	s25 =	smul.u32 $0x2D00, s14  }
0xa: {  	s3 =	sand.u32 $0x1, s3;
	s6 =	sadd.s32 $0xA0000, s0;
	s10 =	smul.u32 $0x5A000, s14  }
0xb: {  	s7 =	sadd.s32 $0x1C00, s0;
	s8 =	sadd.s32 $0x4A00, s0;
	s12 =	smul.u32 $0x140, s14  }
0xc: {  	s31 =	sshll.u32 s14, $0x6;
	s14 =	simm.s32 $0x5;
	s9 =	smul.u32 $0x2D000, s3  }
0xd: {  	_ =	strace $0x80000047;
	s11 =	ssub.s32 $0x2, s3;
	s3 =	smul.u32 $0x1400, s3  }
.Ltmp0:
0xe: {  	s26 =	sshrl.u32 s11, $0x1;
	s30 =	sshrl.u32 s10, $0x2;
	(pc) =	sbr.rel .LBB2_1-.Ltmp0, $4  }
0xf: {  	s5 =	sadd.s32 s25, s9;
	s29 =	ssub.s32 s11, s26;
	s13 =	sadd.s32 s30, s4  }
0x10: {  	s3 =	sadd.s32 s12, s3;
	s9 =	sor.u32 $0x1C05, s31;
	s25 =	simm.s32 $0x3  }
0x11: {  	s26 =	simm.s32 $0x0;
	s0 =	sadd.s32 s5, s0;
	s10 =	sshll.u32 s3, $0x3  }
0x12: {  	s12 =	smax.u32 s29, $0x1;
	s13 =	sshrl.u32 s13, $0x3;
	s11 =	sadd.s32 $0x4C00, s0  }
.LBB2_16:
0x13: {  	s26 =	sadd.s32 $0x1, s26  }
0x14: {  	p0 =	sne.s32 s26, s12  }
.Ltmp1:
0x15: {  	[bflag:$0x0] =	sbarrier.arrive $0xFFFF;
	(pc) =	sbr.rel @!p0 .LBB2_17-.Ltmp1, $4  }
0x16: {  	[hbm:s11], [sflag:s9] =	dma.local [spmem:s13], $0x2D00  }
0x17: {  	_ =	swait.ge [sflag:s14], $0x2D00  }
0x18: {  	[sflag:s14] =	ssyncset.done $0x0  }
0x19: {  	[sflag:s14] =	ssyncadd.s32 $0xFFFFD300  }
.LBB2_1:
0x1a: {  	[spmem:s13], [sflag:s9] =	dma.local [hbm:s7], $0x2D00  }
0x1b: {  	_ =	swait.ge [sflag:s14], $0x2D00  }
0x1c: {  	[sflag:s14] =	ssyncset.done $0x0  }
0x1d: {  	s0 =	simm.s32 $0x0;
	[sflag:s14] =	ssyncadd.s32 $0xFFFFD300  }
0x1e: {  	[tilespmem:s15], [sflag:$0x5] =	stream.linear.gather [hbm4b:s8+s0], $0x10, $0x38;
	[tilespmem:$0x1E010] =	vst v63  }
0x1f: {  	_ =	swait.ge [sflag:s14], $0x10  }
0x20: {  	[sflag:s14] =	ssyncset.done $0x0  }
0x21: {  	[sflag:s14] =	ssyncadd.s32 $0xFFFFFFF0  }
0x22: {  	v0 =	vld [tilespmem:$0x1000];
	_ =	sdelay $0x3  }
0x23: {  	s3 =	simm.s32 $0x80;
	s0 =	simm.s32 $0x440  }
.LBB2_2:
0x24: {  	p0 =	sne.s32 s0, $0x8FC0;
	[tilespmem:s3+$0x3010] =	vst v0;
	s5 =	smov.u32 s0;
	s0 =	sadd.s32 $0x240, s0  }
.Ltmp2:
0x25: {  	[tilespmem:s3+$0x5410] =	vst v0;
	(pc) =	sbr.rel @p0 .LBB2_2-.Ltmp2, $2  }
0x26: {  	_ =	sdelay $0x2  }
0x27: {  	s3 =	sshra.s32 s5, $0x2  }
.Ltmp3:
0x28: {  	(pc) =	sbr.rel .LBB2_4-.Ltmp3, $4  }
0x29: {  	[tilespmem:s3+$0x3010] =	vst v0  }
0x2a: {  	[tilespmem:s3+$0x5410] =	vst v0  }
0x2b: {  	[bflag:$0x0] =	sbarrier.arrive $0xFFFF  }
0x2c: {  	s29 =	simm.s32 $0x0  }
.LBB2_15:
0x2d: {  	s29 =	sadd.s32 $0x1, s29  }
0x2e: {  	_ =	swait.ge [sflag:s25], $0x2400;
	p0 =	sne.s32 s29, $0xA  }
.Ltmp4:
0x2f: {  	[sflag:s25] =	ssyncset.done $0x0;
	(pc) =	sbr.rel @!p0 .LBB2_16-.Ltmp4, $4  }
0x30: {  	[sflag:s25] =	ssyncadd.s32 $0xFFFFDC00  }
0x31: {  	_ =	swait.ge [sflag:s23], $0x2400  }
0x32: {  	[sflag:s23] =	ssyncset.done $0x0  }
0x33: {  	[sflag:s23] =	ssyncadd.s32 $0xFFFFDC00  }
.LBB2_4:
0x34: {  	s0 =	sshll.u32 s29, $0x8  }
0x35: {  	s0 =	sadd.s32 s10, s0  }
0x36: {  	s3 =	sadd.s32 s1, s0  }
0x37: {  	[tilespmem:s28], [sflag:$0x5] =	stream.linear.gather [hbm4b:s3+s28], $0x800, $0x38;
	[tilespmem:$0x1E010] =	vst v63  }
0x38: {  	_ =	swait.ge [sflag:s14], $0x800  }
0x39: {  	[sflag:s14] =	ssyncset.done $0x0  }
0x3a: {  	s0 =	sadd.s32 s2, s0;
	[sflag:s14] =	ssyncadd.s32 $0xFFFFF800  }
0x3b: {  	[tilespmem:s16], [sflag:$0x5] =	stream.linear.gather [hbm4b:s0+s28], $0x800, $0x38;
	[tilespmem:$0x1E010] =	vst v63  }
0x3c: {  	_ =	swait.ge [sflag:s14], $0x800  }
0x3d: {  	[sflag:s14] =	ssyncset.done $0x0  }
0x3e: {  	[sflag:s14] =	ssyncadd.s32 $0xFFFFF800  }
0x3f: {  	[tilespmem:s18], [sflag:$0x1] =	stream.indirect.gather [hbm4b:s6+s17], $0x40, s28, s17, $0xb8;
	[tilespmem:$0x1E010] =	vst v63  }
0x40: {  	s30 =	simm.s32 $0x0  }
0x41: {  	[tilespmem:s19], [sflag:$0x2] =	stream.indirect.gather [hbm4b:s6+s17], $0x40, s17, s17, $0xb8;
	[tilespmem:$0x1E010] =	vst v63  }
.LBB2_5:
0x42: {  	_ =	swait.ge [sflag:s20], $0x1000  }
0x43: {  	p0 =	seq.s32 s30, $0x0;
	[sflag:s20] =	ssyncset.done $0x0  }
0x44: {  	s0 =	simm.s32 @!p0 $0x3;
	[sflag:s20] =	ssyncadd.s32 $0xFFFFF000  }
0x45: {  	_ =	swait.ge @!p0 [sflag:s0], $0x2400  }
0x46: {  	[sflag:s0] =	ssyncset.done @!p0 $0x0  }
0x47: {  	s5 =	simm.s32 $0x0;
	[sflag:s0] =	ssyncadd.s32 @!p0 $0xFFFFDC00  }
0x48: {  	v0 =	vld [tilespmem:s5+$0x1010];
	_ =	sdelay $0x4  }
0x49: {  	s31 =	simm.s32 $0x3050;
	v1 =	vunpack.i.l.bf16.f32 v0  }
0x4a: {  	v0 =	vunpack.i.u.bf16.f32 v0;
	[tilespmem:s31+$0xFFFFFFC0] =	vst v1  }
0x4b: {  	[tilespmem:s31+$0x0] =	vst v0  }
0x4c: {  	v0 =	vld [tilespmem:s5+$0x1020];
	_ =	sdelay $0x4  }
0x4d: {  	v1 =	vunpack.i.l.bf16.f32 v0  }
0x4e: {  	v0 =	vunpack.i.u.bf16.f32 v0;
	[tilespmem:s31+$0xFFFFFFD0] =	vst v1  }
0x4f: {  	[tilespmem:s31+$0x10] =	vst v0  }
0x50: {  	v0 =	vld [tilespmem:s5+$0x1030];
	_ =	sdelay $0x4  }
0x51: {  	v1 =	vunpack.i.u.bf16.f32 v0  }
0x52: {  	v0 =	vunpack.i.l.bf16.f32 v0;
	[tilespmem:s31+$0x20] =	vst v1  }
0x53: {  	[tilespmem:s31+$0xFFFFFFE0] =	vst v0  }
0x54: {  	v0 =	vld [tilespmem:s5+$0x1040];
	_ =	sdelay $0x4  }
0x55: {  	v1 =	vunpack.i.l.bf16.f32 v0  }
0x56: {  	v0 =	vunpack.i.u.bf16.f32 v0;
	[tilespmem:s31+$0xFFFFFFF0] =	vst v1  }
0x57: {  	s0 =	simm.s32 $0x40;
	[tilespmem:s31+$0x30] =	vst v0  }
0x58: {  	v0 =	vld [tilespmem:s0+$0x1010]  }
0x59: {  	s3 =	simm.s32 $0x200  }
.LBB2_6:
0x5a: {  	p1 =	sne.s32 s3, $0x3F00;
	_ =	sdelay $0x2  }
0x5b: {  	s31 =	sadd.s32 $0x90, s31;
	v1 =	vunpack.i.l.bf16.f32 v0  }
0x5c: {  	v0 =	vunpack.i.u.bf16.f32 v0;
	[tilespmem:s31+$0xFFFFFFC0] =	vst v1  }
0x5d: {  	[tilespmem:s31+$0x0] =	vst v0  }
0x5e: {  	v0 =	vld [tilespmem:s0+$0x1020];
	_ =	sdelay $0x4  }
0x5f: {  	v1 =	vunpack.i.l.bf16.f32 v0  }
0x60: {  	v0 =	vunpack.i.u.bf16.f32 v0;
	[tilespmem:s31+$0xFFFFFFD0] =	vst v1  }
0x61: {  	[tilespmem:s31+$0x10] =	vst v0  }
0x62: {  	v0 =	vld [tilespmem:s0+$0x1030];
	_ =	sdelay $0x4  }
0x63: {  	v1 =	vunpack.i.u.bf16.f32 v0;
	v0 =	vunpack.i.l.bf16.f32 v0  }
0x64: {  	[tilespmem:s31+$0x20] =	vst v1  }
0x65: {  	[tilespmem:s31+$0xFFFFFFE0] =	vst v0  }
0x66: {  	v0 =	vld [tilespmem:s0+$0x1040];
	_ =	sdelay $0x4  }
.Ltmp5:
0x67: {  	v1 =	vunpack.i.u.bf16.f32 v0;
	v0 =	vunpack.i.l.bf16.f32 v0;
	(pc) =	sbr.rel @p1 .LBB2_6-.Ltmp5, $4  }
0x68: {  	[tilespmem:s31+$0xFFFFFFF0] =	vst v0  }
0x69: {  	s0 =	sshra.s32 s3, $0x2;
	[tilespmem:s31+$0x30] =	vst v1  }
0x6a: {  	v0 =	vld [tilespmem:s0+$0x1010]  }
0x6b: {  	s3 =	sadd.s32 $0x100, s3  }
0x6c: {  	_ =	sdelay $0x2  }
0x6d: {  	s3 =	sadd.s32 $0x90, s31;
	v1 =	vunpack.i.l.bf16.f32 v0  }
0x6e: {  	v60 =	vunpack.i.u.bf16.f32 v0;
	[tilespmem:s3+$0xFFFFFFC0] =	vst v1  }
0x6f: {  	[tilespmem:s3+$0x0] =	vst v60  }
0x70: {  	v0 =	vld [tilespmem:s0+$0x1020];
	_ =	sdelay $0x4  }
0x71: {  	v61 =	vunpack.i.l.bf16.f32 v0  }
0x72: {  	v0 =	vunpack.i.u.bf16.f32 v0;
	[tilespmem:s3+$0xFFFFFFD0] =	vst v61  }
0x73: {  	[tilespmem:s3+$0x10] =	vst v0  }
0x74: {  	v0 =	vld [tilespmem:s0+$0x1030];
	_ =	sdelay $0x4  }
0x75: {  	v62 =	vunpack.i.u.bf16.f32 v0  }
0x76: {  	v0 =	vunpack.i.l.bf16.f32 v0;
	[tilespmem:s3+$0x20] =	vst v62  }
0x77: {  	[tilespmem:s3+$0xFFFFFFE0] =	vst v0  }
0x78: {  	v0 =	vld [tilespmem:s0+$0x1040];
	_ =	sdelay $0x2  }
0x79: {  	p1 =	sne.s32 s30, $0xF  }
.Ltmp6:
0x7a: {  	_ = 	snop;
	(pc) =	sbr.rel @p1 .LBB2_9-.Ltmp6, $4  }
0x7b: {  	s5 =	sshll.u32 s30, $0x9;
	v63 =	vunpack.i.l.bf16.f32 v0  }
0x7c: {  	s31 =	sshrl.u32 s5, $0x2;
	v0 =	vunpack.i.u.bf16.f32 v0;
	[tilespmem:s3+$0xFFFFFFF0] =	vst v63  }
0x7d: {  	s0 =	sadd.s32 $0x800, s31;
	[tilespmem:s3+$0x30] =	vst v0  }
0x7e: {  	[spmem:s4] =	stream.indirect.scatter.add.f32 [tilespmem:s21], [sflag:$0x3], $0x90, s0, s17, $0xb8;
	[tilespmem:$0x1E010] =	vst v63  }
.Ltmp7:
0x7f: {  	(pc) =	sbr.rel .LBB2_10-.Ltmp7, $4  }
0x80: {  	_ = 	snop  }
0x81: {  	_ =	swait.ge [sflag:s22], $0x1000  }
0x82: {  	[sflag:s22] =	ssyncset.done $0x0  }
0x83: {  	[sflag:s22] =	ssyncadd.s32 $0xFFFFF000  }
.LBB2_9:
.Ltmp8:
0x84: {  	s0 =	sadd.s32 $0x80, s31;
	(pc) =	sbr.rel @p0 .LBB2_11-.Ltmp8, $4  }
0x85: {  	[tilespmem:s18], [sflag:$0x1] =	stream.indirect.gather [hbm4b:s6+s17], $0x40, s0, s17, $0xb8;
	[tilespmem:$0x1E010] =	vst v63  }
0x86: {  	_ =	swait.ge [sflag:s22], $0x1000  }
0x87: {  	[sflag:s22] =	ssyncset.done $0x0  }
0x88: {  	[sflag:s22] =	ssyncadd.s32 $0xFFFFF000  }
.LBB2_10:
0x89: {  	_ =	swait.ge [sflag:s23], $0x2400  }
0x8a: {  	[sflag:s23] =	ssyncset.done $0x0  }
0x8b: {  	[sflag:s23] =	ssyncadd.s32 $0xFFFFDC00  }
.LBB2_11:
0x8c: {  	s3 =	simm.s32 $0x0  }
0x8d: {  	v0 =	vld [tilespmem:s3+$0x2010];
	_ =	sdelay $0x4  }
0x8e: {  	s0 =	simm.s32 $0x5450;
	v1 =	vunpack.i.l.bf16.f32 v0  }
0x8f: {  	v0 =	vunpack.i.u.bf16.f32 v0;
	[tilespmem:s0+$0xFFFFFFC0] =	vst v1  }
0x90: {  	[tilespmem:s0+$0x0] =	vst v0  }
0x91: {  	v0 =	vld [tilespmem:s3+$0x2020];
	_ =	sdelay $0x4  }
0x92: {  	v1 =	vunpack.i.l.bf16.f32 v0  }
0x93: {  	v0 =	vunpack.i.u.bf16.f32 v0;
	[tilespmem:s0+$0xFFFFFFD0] =	vst v1  }
0x94: {  	[tilespmem:s0+$0x10] =	vst v0  }
0x95: {  	v0 =	vld [tilespmem:s3+$0x2030];
	_ =	sdelay $0x4  }
0x96: {  	v1 =	vunpack.i.u.bf16.f32 v0  }
0x97: {  	v0 =	vunpack.i.l.bf16.f32 v0;
	[tilespmem:s0+$0x20] =	vst v1  }
0x98: {  	[tilespmem:s0+$0xFFFFFFE0] =	vst v0  }
0x99: {  	v0 =	vld [tilespmem:s3+$0x2040];
	_ =	sdelay $0x4  }
0x9a: {  	v1 =	vunpack.i.l.bf16.f32 v0  }
0x9b: {  	v0 =	vunpack.i.u.bf16.f32 v0;
	[tilespmem:s0+$0xFFFFFFF0] =	vst v1  }
0x9c: {  	s3 =	simm.s32 $0x40;
	[tilespmem:s0+$0x30] =	vst v0  }
0x9d: {  	v0 =	vld [tilespmem:s3+$0x2010]  }
0x9e: {  	s5 =	simm.s32 $0x200  }
.LBB2_12:
0x9f: {  	p0 =	sne.s32 s5, $0x3F00;
	_ =	sdelay $0x2  }
0xa0: {  	s0 =	sadd.s32 $0x90, s0;
	v1 =	vunpack.i.l.bf16.f32 v0  }
0xa1: {  	v0 =	vunpack.i.u.bf16.f32 v0;
	[tilespmem:s0+$0xFFFFFFC0] =	vst v1  }
0xa2: {  	[tilespmem:s0+$0x0] =	vst v0  }
0xa3: {  	v0 =	vld [tilespmem:s3+$0x2020];
	_ =	sdelay $0x4  }
0xa4: {  	v1 =	vunpack.i.l.bf16.f32 v0  }
0xa5: {  	v0 =	vunpack.i.u.bf16.f32 v0;
	[tilespmem:s0+$0xFFFFFFD0] =	vst v1  }
0xa6: {  	[tilespmem:s0+$0x10] =	vst v0  }
0xa7: {  	v0 =	vld [tilespmem:s3+$0x2030];
	_ =	sdelay $0x4  }
0xa8: {  	v1 =	vunpack.i.u.bf16.f32 v0;
	v0 =	vunpack.i.l.bf16.f32 v0  }
0xa9: {  	[tilespmem:s0+$0x20] =	vst v1  }
0xaa: {  	[tilespmem:s0+$0xFFFFFFE0] =	vst v0  }
0xab: {  	v0 =	vld [tilespmem:s3+$0x2040];
	_ =	sdelay $0x4  }
.Ltmp9:
0xac: {  	v1 =	vunpack.i.u.bf16.f32 v0;
	v0 =	vunpack.i.l.bf16.f32 v0;
	(pc) =	sbr.rel @p0 .LBB2_12-.Ltmp9, $4  }
0xad: {  	[tilespmem:s0+$0xFFFFFFF0] =	vst v0  }
0xae: {  	s3 =	sshra.s32 s5, $0x2;
	[tilespmem:s0+$0x30] =	vst v1  }
0xaf: {  	v0 =	vld [tilespmem:s3+$0x2010]  }
0xb0: {  	s5 =	sadd.s32 $0x100, s5  }
0xb1: {  	_ =	sdelay $0x2  }
0xb2: {  	s0 =	sadd.s32 $0x90, s0;
	v1 =	vunpack.i.l.bf16.f32 v0  }
0xb3: {  	v60 =	vunpack.i.u.bf16.f32 v0;
	[tilespmem:s0+$0xFFFFFFC0] =	vst v1  }
0xb4: {  	[tilespmem:s0+$0x0] =	vst v60  }
0xb5: {  	v0 =	vld [tilespmem:s3+$0x2020];
	_ =	sdelay $0x4  }
0xb6: {  	v61 =	vunpack.i.l.bf16.f32 v0  }
0xb7: {  	v0 =	vunpack.i.u.bf16.f32 v0;
	[tilespmem:s0+$0xFFFFFFD0] =	vst v61  }
0xb8: {  	[tilespmem:s0+$0x10] =	vst v0  }
0xb9: {  	v0 =	vld [tilespmem:s3+$0x2030];
	_ =	sdelay $0x4  }
0xba: {  	v62 =	vunpack.i.u.bf16.f32 v0  }
0xbb: {  	v0 =	vunpack.i.l.bf16.f32 v0;
	[tilespmem:s0+$0x20] =	vst v62  }
0xbc: {  	[tilespmem:s0+$0xFFFFFFE0] =	vst v0  }
0xbd: {  	v0 =	vld [tilespmem:s3+$0x2040];
	_ =	sdelay $0x2  }
0xbe: {  	p0 =	seq.s32 s30, $0xF  }
.Ltmp10:
0xbf: {  	_ = 	snop;
	(pc) =	sbr.rel @p0 .LBB2_15-.Ltmp10, $4  }
0xc0: {  	v63 =	vunpack.i.l.bf16.f32 v0  }
0xc1: {  	v0 =	vunpack.i.u.bf16.f32 v0;
	[tilespmem:s0+$0xFFFFFFF0] =	vst v63  }
0xc2: {  	s5 =	sadd.s32 $0x840, s31;
	[tilespmem:s0+$0x30] =	vst v0  }
0xc3: {  	[spmem:s4] =	stream.indirect.scatter.add.f32 [tilespmem:s24], [sflag:$0x4], $0x90, s5, s17, $0xb8;
	[tilespmem:$0x1E010] =	vst v63  }
.Ltmp11:
0xc4: {  	(pc) =	sbr.rel .LBB2_5-.Ltmp11, $3  }
0xc5: {  	_ =	sdelay $0x1  }
0xc6: {  	s0 =	sadd.s32 $0xC0, s31;
	s30 =	sadd.s32 $0x1, s30  }
0xc7: {  	[tilespmem:s19], [sflag:$0x2] =	stream.indirect.gather [hbm4b:s6+s17], $0x40, s0, s17, $0xb8;
	[tilespmem:$0x1E010] =	vst v63  }
.LBB2_17:
0xc8: {  	_ =	sfence.sel $0x180000  }
0xc9: {  	[bflag:$0x0] =	sbarrier.arrive $0xFFFF  }
0xca: {  	_ =	strace $0x90000047  }
0xcb: {  	s0 =	stileid.u32;
	[bflag:$0x2] =	sbarrier.arrive $0xFFFF  }
0xcc: {  	p0 =	sne.s32 s0, $0x0;
	s0 =	rddreg [dreg:$0x4]  }
0xcd: {  	s0 =	sadd.s32 @!p0 $0x100000, s0  }
0xce: {  	[sflag:s0] =	ssyncadd.tile.s32 @!p0 $0x1;
	_ =	shalt  }
.Lfunc_end2:
_tile_overlayer_lowered:
.L_overlay_start_2:
0xcf: {  	(tag) =	ssettag $0x2  }
0xd0: {  	s0 =	rddreg [dreg:$0x0];
	s2 =	stileid.u32  }
0xd1: {  	s1 =	rddreg [dreg:$0x1];
	p0 =	sne.s32 s2, $0x0  }
0xd2: {  	s3 =	rddreg [dreg:$0x2];
	[bflag:$0x3] =	sbarrier.arrive $0xFFFF;
	s2 =	simm.s32 @!p0 $0x1C05  }
0xd3: {  	[timem:s3], [sflag:s2] =	dma.local @!p0 [hbm:s0], s1  }
0xd4: {  	s0 =	simm.s32 @!p0 $0x5  }
0xd5: {  	_ =	swait.ge @!p0 [sflag:s0], s1  }
0xd6: {  	s1 =	ssub.s32 @!p0 $0x0, s1;
	[sflag:s0] =	ssyncset.done @!p0 $0x0  }
0xd7: {  	[sflag:s0] =	ssyncadd.s32 @!p0 s1  }
0xd8: {  	[bflag:$0x3] =	sbarrier.arrive $0xFFFF  }
0xd9: {  	_ =	shalt  }

</sc_bundles>
